<compile_context>
chip_gen: v7x
topology: tpu7x:2x2x1
jax: 0.10.2.dev20260603
libtpu: 0.0.44.dev20260713+nightly
codegen_flags: <defaults>
</compile_context>

<pallas_src>
import functools

import jax
import jax.numpy as jnp
from jax import lax
from jax.experimental import pallas as pl
from jax.experimental.pallas import tpu as pltpu
from jax.experimental.pallas import tpu_sc as plsc

K = 20
N = 10000
NP_ROWS = 10240
NP_COLS = 10240
RB = 256
D = 128
CW = 1024
NCH = NP_COLS // CW
E_PAD = NP_ROWS * K
NEG_SLOPE = 0.2
BIG_I = 2**30
INF = float("inf")


def _ha_kernel(x_ref, w_ref, asrc_ref, adst_ref, h_ref, as_ref, ad_ref):
    h = jnp.dot(x_ref[...], w_ref[...], preferred_element_type=jnp.float32)
    h_ref[...] = h
    as_ref[...] = jnp.sum(h * asrc_ref[...], axis=1, keepdims=True)
    ad_ref[...] = jnp.sum(h * adst_ref[...], axis=1, keepdims=True)


def _run_a(xs_pad, W, att_src, att_dst):
    return pl.pallas_call(
        _ha_kernel,
        grid=(NP_ROWS // RB,),
        in_specs=[
            pl.BlockSpec((RB, D), lambda i: (i, 0)),
            pl.BlockSpec((D, D), lambda i: (0, 0)),
            pl.BlockSpec((1, D), lambda i: (0, 0)),
            pl.BlockSpec((1, D), lambda i: (0, 0)),
        ],
        out_specs=[
            pl.BlockSpec((RB, D), lambda i: (i, 0)),
            pl.BlockSpec((RB, 1), lambda i: (i, 0)),
            pl.BlockSpec((RB, 1), lambda i: (i, 0)),
        ],
        out_shape=[
            jax.ShapeDtypeStruct((NP_ROWS, D), jnp.float32),
            jax.ShapeDtypeStruct((NP_ROWS, 1), jnp.float32),
            jax.ShapeDtypeStruct((NP_ROWS, 1), jnp.float32),
        ],
    )(xs_pad, W, att_src, att_dst)


def _knn_kernel(pos_ref, post_ref, ad_ref, as_ref, h_ref,
                idx_ref, w_ref, msgs_ref, d_scr, ad_scr):
    blk = pl.program_id(0)
    pb = pos_ref[...]
    sq_r = jnp.sum(pb * pb, axis=1, keepdims=True)
    rowg = lax.broadcasted_iota(jnp.int32, (RB, 1), 0) + blk * RB
    valid = rowg < N

    def _build(c, carry):
        c0 = pl.multiple_of(c * CW, CW)
        ptc = post_ref[:, pl.ds(c0, CW)]
        dmm = jnp.dot(pb, ptc, preferred_element_type=jnp.float32)
        sq_c = jnp.sum(ptc * ptc, axis=0, keepdims=True)
        dd = sq_r + sq_c - 2.0 * dmm
        colc = lax.broadcasted_iota(jnp.int32, (RB, CW), 1) + c * CW
        dd = jnp.where((colc >= N) | (colc == rowg), INF, dd)
        d_scr[:, pl.ds(c0, CW)] = dd
        return carry
    lax.fori_loop(0, NCH, _build, 0)

    def _sel(t, carry):
        i_prev = carry

        def _scan(c, acc):
            m, p = acc
            c0 = pl.multiple_of(c * CW, CW)
            dd = d_scr[:, pl.ds(c0, CW)]
            colc = lax.broadcasted_iota(jnp.int32, (RB, CW), 1) + c * CW
            dd = jnp.where(colc == i_prev, INF, dd)
            d_scr[:, pl.ds(c0, CW)] = dd
            vmin = jnp.min(dd, axis=1, keepdims=True)
            eq = dd == vmin
            adc = ad_ref[:, pl.ds(c0, CW)]
            adq = ((jnp.clip(adc, -15.9, 15.9) + 16.0)
                   * 4096.0).astype(jnp.int32)
            packed_row = (adq << 14) | colc
            pw = jnp.min(jnp.where(eq, packed_row, 2**31 - 1), axis=1,
                         keepdims=True)
            take = (vmin < m) | ((vmin == m) & (pw < p))
            return (jnp.where(take, vmin, m), jnp.where(take, pw, p))

        m0 = jnp.full((RB, 1), INF, jnp.float32)
        p0 = jnp.full((RB, 1), 2**31 - 1, jnp.int32)
        _, p_t = lax.fori_loop(0, NCH, _scan, (m0, p0))
        i_t = p_t & 16383
        ad_t = (p_t >> 14).astype(jnp.float32) / 4096.0 - 16.0
        for tt in range(K):
            @pl.when(t == tt)
            def _store():
                idx_ref[:, tt:tt + 1] = jnp.where(valid, i_t, 0)
                ad_scr[:, tt:tt + 1] = ad_t
        return i_t
    lax.fori_loop(0, K, _sel, jnp.full((RB, 1), -1, jnp.int32))

    ads = ad_scr[:, :K]
    alpha = as_ref[...] + ads
    alpha = jnp.where(alpha >= 0, alpha, NEG_SLOPE * alpha)
    w = jnp.where(valid, jnp.exp(alpha), 0.0)
    w_ref[...] = w
    h = h_ref[...]
    for j in range(K):
        msgs_ref[j] = w[:, j:j + 1] * h


def _run_b(pos_pad, post_pad, ad_row, as_col, h):
    return pl.pallas_call(
        _knn_kernel,
        grid=(NP_ROWS // RB,),
        in_specs=[
            pl.BlockSpec((RB, 8), lambda i: (i, 0)),
            pl.BlockSpec((8, NP_COLS), lambda i: (0, 0)),
            pl.BlockSpec((1, NP_COLS), lambda i: (0, 0)),
            pl.BlockSpec((RB, 1), lambda i: (i, 0)),
            pl.BlockSpec((RB, D), lambda i: (i, 0)),
        ],
        out_specs=[
            pl.BlockSpec((RB, K), lambda i: (i, 0)),
            pl.BlockSpec((RB, K), lambda i: (i, 0)),
            pl.BlockSpec((K, RB, D), lambda i: (0, i, 0)),
        ],
        out_shape=[
            jax.ShapeDtypeStruct((NP_ROWS, K), jnp.int32),
            jax.ShapeDtypeStruct((NP_ROWS, K), jnp.float32),
            jax.ShapeDtypeStruct((K, NP_ROWS, D), jnp.float32),
        ],
        scratch_shapes=[
            pltpu.VMEM((RB, NP_COLS), jnp.float32),
            pltpu.VMEM((RB, 128), jnp.float32),
        ],
    )(pos_pad, post_pad, ad_row, as_col, h)


NTILE = 32
EDGES_PER_TILE = E_PAD // NTILE
CHUNK = 128
CHUNKS_PER_TILE = EDGES_PER_TILE // CHUNK
ACC_STRIPE = NP_ROWS // 16


def _sc_scatter_kernel(msgs_hbm, idx_hbm, w_hbm, out_hbm, dpart_hbm,
                       stage_v, idx_v, idx_slab, w_slab, denom_v, acc_sh):
    c = lax.axis_index("c")
    s = lax.axis_index("s")
    tile = c * 16 + s

    def _zrow(r, _):
        def _zcol(v, _):
            stage_v[r, pl.ds(v * 16, 16)] = jnp.zeros((16,), jnp.float32)
            return ()
        return lax.fori_loop(0, D // 16, _zcol, ())
    lax.fori_loop(0, CHUNK, _zrow, ())

    def _zden(i, _):
        denom_v[pl.ds(i * 16, 16)] = jnp.zeros((16,), jnp.float32)
        return ()
    lax.fori_loop(0, NP_ROWS // 16, _zden, ())

    def _zstripe(z, _):
        pltpu.sync_copy(stage_v,
                        acc_sh.at[pl.ds(s * ACC_STRIPE + z * CHUNK, CHUNK)])
        return ()
    lax.fori_loop(0, ACC_STRIPE // CHUNK, _zstripe, ())
    plsc.subcore_barrier()

    base = tile * EDGES_PER_TILE
    pltpu.sync_copy(idx_hbm.at[pl.ds(base, EDGES_PER_TILE)], idx_slab)
    pltpu.sync_copy(w_hbm.at[pl.ds(base, EDGES_PER_TILE)], w_slab)

    def _den(i, _):
        iv = idx_slab[pl.ds(i * 16, 16)]
        wv = w_slab[pl.ds(i * 16, 16)]
        plsc.addupdate_scatter(denom_v, [iv], wv)
        return ()
    lax.fori_loop(0, EDGES_PER_TILE // 16, _den, ())

    def _chunk(i, _):
        off = base + i * CHUNK
        pltpu.sync_copy(idx_hbm.at[pl.ds(off, CHUNK)], idx_v)
        pltpu.sync_copy(msgs_hbm.at[pl.ds(off, CHUNK)], stage_v)
        pltpu.sync_copy(stage_v, acc_sh.at[idx_v], add=True)
        return ()
    lax.fori_loop(0, CHUNKS_PER_TILE, _chunk, ())
    plsc.subcore_barrier()

    pltpu.sync_copy(acc_sh.at[pl.ds(s * ACC_STRIPE, ACC_STRIPE)],
                    out_hbm.at[c, pl.ds(s * ACC_STRIPE, ACC_STRIPE)])
    pltpu.sync_copy(denom_v, dpart_hbm.at[tile])


def _run_c(msgs_flat, idx_flat, w_flat):
    mesh = plsc.VectorSubcoreMesh(core_axis_name="c", subcore_axis_name="s")
    f = functools.partial(
        pl.kernel,
        out_type=[
            jax.ShapeDtypeStruct((2, NP_ROWS, D), jnp.float32),
            jax.ShapeDtypeStruct((NTILE, NP_ROWS), jnp.float32),
        ],
        mesh=mesh,
        scratch_types=[
            pltpu.VMEM((CHUNK, D), jnp.float32),
            pltpu.VMEM((CHUNK,), jnp.int32),
            pltpu.VMEM((EDGES_PER_TILE,), jnp.int32),
            pltpu.VMEM((EDGES_PER_TILE,), jnp.float32),
            pltpu.VMEM((NP_ROWS,), jnp.float32),
            pltpu.VMEM_SHARED((NP_ROWS, D), jnp.float32),
        ],
        compiler_params=pltpu.CompilerParams(needs_layout_passes=False),
    )(_sc_scatter_kernel)
    return f(msgs_flat, idx_flat, w_flat)


DB = 512


def _fin_kernel(p_ref, dp_ref, bias_ref, out_ref):
    p = p_ref[0] + p_ref[1]
    dp = dp_ref[...]
    ones = jnp.ones((NTILE, 1), jnp.float32)
    dsum = lax.dot_general(dp, ones, (((0,), (0,)), ((), ())),
                           preferred_element_type=jnp.float32)
    out_ref[...] = p / (dsum + jnp.float32(1e-16)) + bias_ref[...]


def _run_d(partials, dpart, bias_row):
    return pl.pallas_call(
        _fin_kernel,
        grid=(NP_ROWS // DB,),
        in_specs=[
            pl.BlockSpec((2, DB, D), lambda i: (0, i, 0)),
            pl.BlockSpec((NTILE, DB), lambda i: (0, i)),
            pl.BlockSpec((1, D), lambda i: (0, 0)),
        ],
        out_specs=pl.BlockSpec((DB, D), lambda i: (i, 0)),
        out_shape=jax.ShapeDtypeStruct((NP_ROWS, D), jnp.float32),
    )(partials, dpart, bias_row)


def kernel(x, position, W, att_src, att_dst, bias):
    xs = jnp.squeeze(x, axis=0)
    xs_pad = jnp.pad(xs, ((0, NP_ROWS - N), (0, 0)))
    pos_pad = jnp.pad(position, ((0, NP_ROWS - N), (0, 5)))
    post_pad = jnp.pad(position.T, ((0, 5), (0, NP_COLS - N)))
    asr = att_src.reshape(1, D)
    adr = att_dst.reshape(1, D)

    h, as_col, ad_col = _run_a(xs_pad, W, asr, adr)
    ad_row = ad_col.reshape(1, NP_ROWS)

    idx, w, msgs = _run_b(pos_pad, post_pad, ad_row, as_col, h)
    msgs_flat = msgs.reshape(E_PAD, D)
    idx_flat = idx.T.reshape(E_PAD)
    w_flat = w.T.reshape(E_PAD)

    partials, dpart = _run_c(msgs_flat, idx_flat, w_flat)
    out = _run_d(partials, dpart, bias.reshape(1, D))
    return out[:N][None, ...]

# --- scband reference (transcript-rebuilt; emitter-appended) ---
"""Pipeline reference for scband-spherical-cheb-conv-66623532696120 (READ-ONLY COPY).

The authoritative reference and input builder live on the scoring server;
editing this copy changes nothing except your own understanding.
"""

import jax, jax.numpy as jnp
import numpy as np

K_NEIGH = 20

def knn_graph(pos, k):
    # Emulates torch_cluster.knn_graph(position, k=20, flow='target_to_source', loop=False)
    # flow='target_to_source' -> edge_index[0] = query node i, edge_index[1] = its k nearest neighbors
    N = pos.shape[0]
    sq = jnp.sum(pos * pos, axis=1)
    d = sq[:, None] + sq[None, :] - 2.0 * (pos @ pos.T)
    d = d.at[jnp.arange(N), jnp.arange(N)].set(jnp.inf)  # exclude self-loops
    _, idx = jax.lax.top_k(-d, k)  # [N, k] nearest-neighbor indices
    row = jnp.repeat(jnp.arange(N), k)
    col = idx.reshape(-1)
    return jnp.stack([row, col], axis=0)


def setup_inputs(seed: int = 0):
    key = jax.random.key(seed)
    ks = jax.random.split(key, 6)
    N, C_in, C_out = 10000, 128, 128
    x = jax.random.normal(ks[0], (1, N, C_in), dtype=jnp.float32)
    position = jax.random.normal(ks[1], (N, 3), dtype=jnp.float32)
    W = jax.random.normal(ks[2], (C_in, C_out), dtype=jnp.float32) * (1.0 / np.sqrt(C_in))
    att_src = jax.random.normal(ks[3], (C_out,), dtype=jnp.float32) * 0.1
    att_dst = jax.random.normal(ks[4], (C_out,), dtype=jnp.float32) * 0.1
    bias = jnp.zeros((C_out,), dtype=jnp.float32)
    return {"x": x, "position": position, "W": W, "att_src": att_src, "att_dst": att_dst, "bias": bias}


def gat_conv(x, edge_index, W, att_src, att_dst, bias):
    # PyG GATConv with heads=1: shared linear transform, additive attention,
    # leaky_relu(0.2), softmax over incoming edges per target node, weighted sum + bias.
    N = x.shape[0]
    src, dst = edge_index[0], edge_index[1]
    h = x @ W                                    # [N, C_out]
    a_s = jnp.sum(h * att_src, axis=-1)          # [N]
    a_d = jnp.sum(h * att_dst, axis=-1)          # [N]
    alpha = a_s[src] + a_d[dst]                  # [E]
    alpha = jax.nn.leaky_relu(alpha, negative_slope=0.2)
    amax = jax.ops.segment_max(alpha, dst, num_segments=N)
    amax = jnp.where(jnp.isfinite(amax), amax, 0.0)
    ex = jnp.exp(alpha - amax[dst])
    denom = jax.ops.segment_sum(ex, dst, num_segments=N)
    coef = ex / (denom[dst] + 1e-16)             # softmax per dst segment
    msgs = coef[:, None] * h[src]                # [E, C_out] gather + scale
    out = jax.ops.segment_sum(msgs, dst, num_segments=N)  # scatter-add (aggr='add')
    return out + bias


def reference(x, position, W, att_src, att_dst, bias):
    edge_index = knn_graph(position, K_NEIGH)
    xs = jnp.squeeze(x, axis=0)
    out = gat_conv(xs, edge_index, W, att_src, att_dst, bias)
    return out[None, ...]

if __name__ == "__main__":
    import jax
    _d = setup_inputs()
    print(jax.jit(kernel)(*tuple(_d.values())))

</pallas_src>

<mosaic_0001>
#map = affine_map<(d0, d1) -> (0, 0)>
#map1 = affine_map<(d0, d1) -> (0)>
#map2 = affine_map<(d0, d1) -> (0, 0, 0)>
module attributes {stable_mosaic.version = 14 : i64} {
  func.func @_sc_scatter_kernel(%arg0: i32, %arg1: i32, %arg2: memref<204800x128xf32, #tpu.memory_space<hbm>>, %arg3: memref<204800xi32, #tpu.memory_space<hbm>>, %arg4: memref<204800xf32, #tpu.memory_space<hbm>>, %arg5: memref<2x10240x128xf32, #tpu.memory_space<hbm>>, %arg6: memref<32x10240xf32, #tpu.memory_space<hbm>>, %arg7: memref<128x128xf32, #tpu.memory_space<vmem>>, %arg8: memref<128xi32, #tpu.memory_space<vmem>>, %arg9: memref<6400xi32, #tpu.memory_space<vmem>>, %arg10: memref<6400xf32, #tpu.memory_space<vmem>>, %arg11: memref<10240xf32, #tpu.memory_space<vmem>>, %arg12: memref<10240x128xf32, #tpu.memory_space<vmem_shared>>) attributes {dimension_semantics = [#tpu.dimension_semantics<core_parallel>, #tpu.dimension_semantics<subcore_parallel>], iteration_bounds = array<i64: 2, 16>, scalar_prefetch = 0 : i64, scratch_operands = 6 : i64, tpu.core_type = #tpu.core_type<sc_vector_subcore>, window_params = [{transform_indices = #map}, {transform_indices = #map1}, {transform_indices = #map1}, {transform_indices = #map2}, {transform_indices = #map}]} {
    %mul3A = arith.constant 16 : i32
    %mul3A_0 = arith.muli %arg0, %mul3A : i32
    %add3A = arith.addi %mul3A_0, %arg1 : i32
    %scan3A = arith.constant 0 : i32
    %scan3A_1 = arith.constant 128 : i32
    %scan3A_2 = arith.addi %scan3A, %scan3A_1 : i32
    %scan3A_3 = arith.constant 1 : i32
    scf.for %scan3A_32 = %scan3A to %scan3A_2 step %scan3A_3  : i32 {
      %scan3A_33 = arith.constant 0 : i32
      %scan3A_34 = arith.constant 8 : i32
      %scan3A_35 = arith.addi %scan3A_33, %scan3A_34 : i32
      %scan3A_36 = arith.constant 1 : i32
      scf.for %scan3A_38 = %scan3A_33 to %scan3A_35 step %scan3A_36  : i32 {
        %broadcast_in_dim3A = arith.constant 0.000000e+00 : f32
        %broadcast_in_dim3A_39 = vector.broadcast %broadcast_in_dim3A : f32 to vector<16xf32>
        %mul3A_40 = arith.constant 16 : i32
        %mul3A_41 = arith.muli %scan3A_38, %mul3A_40 : i32
        %swap3A = arith.index_cast %scan3A_32 : i32 to index
        %swap3A_42 = arith.index_cast %mul3A_41 : i32 to index
        %swap3A_43 = tpu.vector_load %arg7[%swap3A, %swap3A_42] {strides = array<i32>} : memref<128x128xf32, #tpu.memory_space<vmem>>, vector<16xf32>,
        tpu.vector_store %arg7[%swap3A, %swap3A_42], %broadcast_in_dim3A_39 {strides = array<i32>} : memref<128x128xf32, #tpu.memory_space<vmem>>, vector<16xf32>,
      }
      %scan3A_37 = arith.constant 8 : i32
    }
    %scan3A_4 = arith.constant 128 : i32
    %scan3A_5 = arith.constant 0 : i32
    %scan3A_6 = arith.constant 640 : i32
    %scan3A_7 = arith.addi %scan3A_5, %scan3A_6 : i32
    %scan3A_8 = arith.constant 1 : i32
    scf.for %scan3A_32 = %scan3A_5 to %scan3A_7 step %scan3A_8  : i32 {
      %broadcast_in_dim3A = arith.constant 0.000000e+00 : f32
      %broadcast_in_dim3A_33 = vector.broadcast %broadcast_in_dim3A : f32 to vector<16xf32>
      %mul3A_34 = arith.constant 16 : i32
      %mul3A_35 = arith.muli %scan3A_32, %mul3A_34 : i32
      %swap3A = arith.index_cast %mul3A_35 : i32 to index
      %swap3A_36 = tpu.vector_load %arg11[%swap3A] {strides = array<i32>} : memref<10240xf32, #tpu.memory_space<vmem>>, vector<16xf32>,
      tpu.vector_store %arg11[%swap3A], %broadcast_in_dim3A_33 {strides = array<i32>} : memref<10240xf32, #tpu.memory_space<vmem>>, vector<16xf32>,
    }
    %scan3A_9 = arith.constant 640 : i32
    %scan3A_10 = arith.constant 0 : i32
    %scan3A_11 = arith.constant 5 : i32
    %scan3A_12 = arith.addi %scan3A_10, %scan3A_11 : i32
    %scan3A_13 = arith.constant 1 : i32
    scf.for %scan3A_32 = %scan3A_10 to %scan3A_12 step %scan3A_13  : i32 {
      %mul3A_33 = arith.constant 640 : i32
      %mul3A_34 = arith.muli %arg1, %mul3A_33 : i32
      %mul3A_35 = arith.constant 128 : i32
      %mul3A_36 = arith.muli %scan3A_32, %mul3A_35 : i32
      %add3A_37 = arith.addi %mul3A_34, %mul3A_36 : i32
      "tpu.region"() ({
        %run_scoped3A = tpu.sem_alloc : memref<!tpu.dma_semaphore, #tpu.memory_space<semaphore_mem>>
        %dma_start3A = arith.constant 0 : i32
        %dma_start3A_38 = tpu.memref_slice %arg12[%add3A_37, %dma_start3A] : memref<10240x128xf32, #tpu.memory_space<vmem_shared>> -> memref<128x128xf32, #tpu.memory_space<vmem_shared>>
        %dma_start3A_39 = arith.constant 0 : i32
        %dma_start3A_40 = tpu.memref_slice %arg12[%add3A_37, %dma_start3A_39] : memref<10240x128xf32, #tpu.memory_space<vmem_shared>> -> memref<128x128xf32, #tpu.memory_space<vmem_shared>>
        tpu.enqueue_dma source(%arg7 : memref<128x128xf32, #tpu.memory_space<vmem>>) target(%dma_start3A_40 : memref<128x128xf32, #tpu.memory_space<vmem_shared>>) target_semaphore(%run_scoped3A : memref<!tpu.dma_semaphore, #tpu.memory_space<semaphore_mem>>)
        %dma_wait3A = arith.constant 0 : i32
        %dma_wait3A_41 = tpu.memref_slice %arg12[%add3A_37, %dma_wait3A] : memref<10240x128xf32, #tpu.memory_space<vmem_shared>> -> memref<128x128xf32, #tpu.memory_space<vmem_shared>>
        %dma_wait3A_42 = arith.constant 0 : i32
        %dma_wait3A_43 = tpu.memref_slice %arg12[%add3A_37, %dma_wait3A_42] : memref<10240x128xf32, #tpu.memory_space<vmem_shared>> -> memref<128x128xf32, #tpu.memory_space<vmem_shared>>
        tpu.wait_dma2 semaphore(%run_scoped3A : memref<!tpu.dma_semaphore, #tpu.memory_space<semaphore_mem>>) src(%arg7 : memref<128x128xf32, #tpu.memory_space<vmem>>) dst(%dma_wait3A_43 : memref<128x128xf32, #tpu.memory_space<vmem_shared>>)
        tpu.yield
      }) : () -> ()
    }
    %scan3A_14 = arith.constant 5 : i32
    %barrier3A = arith.constant 0 : index
    tpu.barrier barrier_id(%barrier3A)
    %mul3A_15 = arith.constant 6400 : i32
    %mul3A_16 = arith.muli %add3A, %mul3A_15 : i32
    "tpu.region"() ({
      %run_scoped3A = tpu.sem_alloc : memref<!tpu.dma_semaphore, #tpu.memory_space<semaphore_mem>>
      %dma_start3A = tpu.memref_slice %arg3[%mul3A_16] : memref<204800xi32, #tpu.memory_space<hbm>> -> memref<6400xi32, #tpu.memory_space<hbm>>
      %dma_start3A_32 = tpu.memref_slice %arg3[%mul3A_16] : memref<204800xi32, #tpu.memory_space<hbm>> -> memref<6400xi32, #tpu.memory_space<hbm>>
      tpu.enqueue_dma source(%dma_start3A_32 : memref<6400xi32, #tpu.memory_space<hbm>>) target(%arg9 : memref<6400xi32, #tpu.memory_space<vmem>>) target_semaphore(%run_scoped3A : memref<!tpu.dma_semaphore, #tpu.memory_space<semaphore_mem>>)
      %dma_wait3A = tpu.memref_slice %arg3[%mul3A_16] : memref<204800xi32, #tpu.memory_space<hbm>> -> memref<6400xi32, #tpu.memory_space<hbm>>
      %dma_wait3A_33 = tpu.memref_slice %arg3[%mul3A_16] : memref<204800xi32, #tpu.memory_space<hbm>> -> memref<6400xi32, #tpu.memory_space<hbm>>
      tpu.wait_dma2 semaphore(%run_scoped3A : memref<!tpu.dma_semaphore, #tpu.memory_space<semaphore_mem>>) src(%dma_wait3A_33 : memref<6400xi32, #tpu.memory_space<hbm>>) dst(%arg9 : memref<6400xi32, #tpu.memory_space<vmem>>)
      tpu.yield
    }) : () -> ()
    "tpu.region"() ({
      %run_scoped3A = tpu.sem_alloc : memref<!tpu.dma_semaphore, #tpu.memory_space<semaphore_mem>>
      %dma_start3A = tpu.memref_slice %arg4[%mul3A_16] : memref<204800xf32, #tpu.memory_space<hbm>> -> memref<6400xf32, #tpu.memory_space<hbm>>
      %dma_start3A_32 = tpu.memref_slice %arg4[%mul3A_16] : memref<204800xf32, #tpu.memory_space<hbm>> -> memref<6400xf32, #tpu.memory_space<hbm>>
      tpu.enqueue_dma source(%dma_start3A_32 : memref<6400xf32, #tpu.memory_space<hbm>>) target(%arg10 : memref<6400xf32, #tpu.memory_space<vmem>>) target_semaphore(%run_scoped3A : memref<!tpu.dma_semaphore, #tpu.memory_space<semaphore_mem>>)
      %dma_wait3A = tpu.memref_slice %arg4[%mul3A_16] : memref<204800xf32, #tpu.memory_space<hbm>> -> memref<6400xf32, #tpu.memory_space<hbm>>
      %dma_wait3A_33 = tpu.memref_slice %arg4[%mul3A_16] : memref<204800xf32, #tpu.memory_space<hbm>> -> memref<6400xf32, #tpu.memory_space<hbm>>
      tpu.wait_dma2 semaphore(%run_scoped3A : memref<!tpu.dma_semaphore, #tpu.memory_space<semaphore_mem>>) src(%dma_wait3A_33 : memref<6400xf32, #tpu.memory_space<hbm>>) dst(%arg10 : memref<6400xf32, #tpu.memory_space<vmem>>)
      tpu.yield
    }) : () -> ()
    %scan3A_17 = arith.constant 0 : i32
    %scan3A_18 = arith.constant 400 : i32
    %scan3A_19 = arith.addi %scan3A_17, %scan3A_18 : i32
    %scan3A_20 = arith.constant 1 : i32
    scf.for %scan3A_32 = %scan3A_17 to %scan3A_19 step %scan3A_20  : i32 {
      %mul3A_33 = arith.constant 16 : i32
      %mul3A_34 = arith.muli %scan3A_32, %mul3A_33 : i32
      %get3A = arith.index_cast %mul3A_34 : i32 to index
      %get3A_35 = tpu.vector_load %arg9[%get3A] {strides = array<i32>} : memref<6400xi32, #tpu.memory_space<vmem>>, vector<16xi32>,
      %mul3A_36 = arith.constant 16 : i32
      %mul3A_37 = arith.muli %scan3A_32, %mul3A_36 : i32
      %get3A_38 = arith.index_cast %mul3A_37 : i32 to index
      %get3A_39 = tpu.vector_load %arg10[%get3A_38] {strides = array<i32>} : memref<6400xf32, #tpu.memory_space<vmem>>, vector<16xf32>,
      tpu.vector_store_idx %arg11[%get3A_35], %get3A_39 {add = true} : memref<10240xf32, #tpu.memory_space<vmem>>[vector<16xi32>], vector<16xf32>,
    }
    %scan3A_21 = arith.constant 400 : i32
    %scan3A_22 = arith.constant 0 : i32
    %scan3A_23 = arith.constant 50 : i32
    %scan3A_24 = arith.addi %scan3A_22, %scan3A_23 : i32
    %scan3A_25 = arith.constant 1 : i32
    scf.for %scan3A_32 = %scan3A_22 to %scan3A_24 step %scan3A_25  : i32 {
      %mul3A_33 = arith.constant 128 : i32
      %mul3A_34 = arith.muli %scan3A_32, %mul3A_33 : i32
      %add3A_35 = arith.addi %mul3A_16, %mul3A_34 : i32
      "tpu.region"() ({
        %run_scoped3A = tpu.sem_alloc : memref<!tpu.dma_semaphore, #tpu.memory_space<semaphore_mem>>
        %dma_start3A = tpu.memref_slice %arg3[%add3A_35] : memref<204800xi32, #tpu.memory_space<hbm>> -> memref<128xi32, #tpu.memory_space<hbm>>
        %dma_start3A_36 = tpu.memref_slice %arg3[%add3A_35] : memref<204800xi32, #tpu.memory_space<hbm>> -> memref<128xi32, #tpu.memory_space<hbm>>
        tpu.enqueue_dma source(%dma_start3A_36 : memref<128xi32, #tpu.memory_space<hbm>>) target(%arg8 : memref<128xi32, #tpu.memory_space<vmem>>) target_semaphore(%run_scoped3A : memref<!tpu.dma_semaphore, #tpu.memory_space<semaphore_mem>>)
        %dma_wait3A = tpu.memref_slice %arg3[%add3A_35] : memref<204800xi32, #tpu.memory_space<hbm>> -> memref<128xi32, #tpu.memory_space<hbm>>
        %dma_wait3A_37 = tpu.memref_slice %arg3[%add3A_35] : memref<204800xi32, #tpu.memory_space<hbm>> -> memref<128xi32, #tpu.memory_space<hbm>>
        tpu.wait_dma2 semaphore(%run_scoped3A : memref<!tpu.dma_semaphore, #tpu.memory_space<semaphore_mem>>) src(%dma_wait3A_37 : memref<128xi32, #tpu.memory_space<hbm>>) dst(%arg8 : memref<128xi32, #tpu.memory_space<vmem>>)
        tpu.yield
      }) : () -> ()
      "tpu.region"() ({
        %run_scoped3A = tpu.sem_alloc : memref<!tpu.dma_semaphore, #tpu.memory_space<semaphore_mem>>
        %dma_start3A = arith.constant 0 : i32
        %dma_start3A_36 = tpu.memref_slice %arg2[%add3A_35, %dma_start3A] : memref<204800x128xf32, #tpu.memory_space<hbm>> -> memref<128x128xf32, #tpu.memory_space<hbm>>
        %dma_start3A_37 = arith.constant 0 : i32
        %dma_start3A_38 = tpu.memref_slice %arg2[%add3A_35, %dma_start3A_37] : memref<204800x128xf32, #tpu.memory_space<hbm>> -> memref<128x128xf32, #tpu.memory_space<hbm>>
        tpu.enqueue_dma source(%dma_start3A_38 : memref<128x128xf32, #tpu.memory_space<hbm>>) target(%arg7 : memref<128x128xf32, #tpu.memory_space<vmem>>) target_semaphore(%run_scoped3A : memref<!tpu.dma_semaphore, #tpu.memory_space<semaphore_mem>>)
        %dma_wait3A = arith.constant 0 : i32
        %dma_wait3A_39 = tpu.memref_slice %arg2[%add3A_35, %dma_wait3A] : memref<204800x128xf32, #tpu.memory_space<hbm>> -> memref<128x128xf32, #tpu.memory_space<hbm>>
        %dma_wait3A_40 = arith.constant 0 : i32
        %dma_wait3A_41 = tpu.memref_slice %arg2[%add3A_35, %dma_wait3A_40] : memref<204800x128xf32, #tpu.memory_space<hbm>> -> memref<128x128xf32, #tpu.memory_space<hbm>>
        tpu.wait_dma2 semaphore(%run_scoped3A : memref<!tpu.dma_semaphore, #tpu.memory_space<semaphore_mem>>) src(%dma_wait3A_41 : memref<128x128xf32, #tpu.memory_space<hbm>>) dst(%arg7 : memref<128x128xf32, #tpu.memory_space<vmem>>)
        tpu.yield
      }) : () -> ()
      "tpu.region"() ({
        %run_scoped3A = tpu.sem_alloc : memref<!tpu.dma_semaphore, #tpu.memory_space<semaphore_mem>>
        %dma_start3A = arith.constant 0 : i32
        %dma_start3A_36 = arith.constant 0 : i32
        %dma_start3A_37 = tpu.memref_slice %arg12[%dma_start3A, %dma_start3A_36] : memref<10240x128xf32, #tpu.memory_space<vmem_shared>> -> memref<10240x128xf32, #tpu.memory_space<vmem_shared>>
        tpu.enqueue_indirect_dma source(%arg7 : memref<128x128xf32, #tpu.memory_space<vmem>>) target(%dma_start3A_37 : memref<10240x128xf32, #tpu.memory_space<vmem_shared>>) offsets(%arg8 : memref<128xi32, #tpu.memory_space<vmem>>) semaphore(%run_scoped3A : memref<!tpu.dma_semaphore, #tpu.memory_space<semaphore_mem>>) {add = true}
        %dma_wait3A = arith.constant 0 : i32
        %dma_wait3A_38 = arith.constant 0 : i32
        %dma_wait3A_39 = tpu.memref_slice %arg12[%dma_wait3A, %dma_wait3A_38] : memref<10240x128xf32, #tpu.memory_space<vmem_shared>> -> memref<10240x128xf32, #tpu.memory_space<vmem_shared>>
        tpu.wait_indirect_dma semaphore(%run_scoped3A : memref<!tpu.dma_semaphore, #tpu.memory_space<semaphore_mem>>) src(%arg7 : memref<128x128xf32, #tpu.memory_space<vmem>>) dst(%dma_wait3A_39 : memref<10240x128xf32, #tpu.memory_space<vmem_shared>>)
        tpu.yield
      }) : () -> ()
    }
    %scan3A_26 = arith.constant 50 : i32
    %barrier3A_27 = arith.constant 0 : index
    tpu.barrier barrier_id(%barrier3A_27)
    %mul3A_28 = arith.constant 640 : i32
    %mul3A_29 = arith.muli %arg1, %mul3A_28 : i32
    %mul3A_30 = arith.constant 640 : i32
    %mul3A_31 = arith.muli %arg1, %mul3A_30 : i32
    "tpu.region"() ({
      %run_scoped3A = tpu.sem_alloc : memref<!tpu.dma_semaphore, #tpu.memory_space<semaphore_mem>>
      %dma_start3A = arith.constant 0 : i32
      %dma_start3A_32 = tpu.memref_slice %arg5[%arg0, %mul3A_31, %dma_start3A] : memref<2x10240x128xf32, #tpu.memory_space<hbm>> -> memref<1x640x128xf32, #tpu.memory_space<hbm>>
      %dma_start3A_33 = tpu.memref_squeeze %dma_start3A_32 : memref<1x640x128xf32, #tpu.memory_space<hbm>> -> memref<640x128xf32, #tpu.memory_space<hbm>>
      %dma_start3A_34 = arith.constant 0 : i32
      %dma_start3A_35 = tpu.memref_slice %arg12[%mul3A_29, %dma_start3A_34] : memref<10240x128xf32, #tpu.memory_space<vmem_shared>> -> memref<640x128xf32, #tpu.memory_space<vmem_shared>>
      tpu.enqueue_dma source(%dma_start3A_35 : memref<640x128xf32, #tpu.memory_space<vmem_shared>>) target(%dma_start3A_33 : memref<640x128xf32, #tpu.memory_space<hbm>>) target_semaphore(%run_scoped3A : memref<!tpu.dma_semaphore, #tpu.memory_space<semaphore_mem>>)
      %dma_wait3A = arith.constant 0 : i32
      %dma_wait3A_36 = tpu.memref_slice %arg5[%arg0, %mul3A_31, %dma_wait3A] : memref<2x10240x128xf32, #tpu.memory_space<hbm>> -> memref<1x640x128xf32, #tpu.memory_space<hbm>>
      %dma_wait3A_37 = tpu.memref_squeeze %dma_wait3A_36 : memref<1x640x128xf32, #tpu.memory_space<hbm>> -> memref<640x128xf32, #tpu.memory_space<hbm>>
      %dma_wait3A_38 = arith.constant 0 : i32
      %dma_wait3A_39 = tpu.memref_slice %arg12[%mul3A_29, %dma_wait3A_38] : memref<10240x128xf32, #tpu.memory_space<vmem_shared>> -> memref<640x128xf32, #tpu.memory_space<vmem_shared>>
      tpu.wait_dma2 semaphore(%run_scoped3A : memref<!tpu.dma_semaphore, #tpu.memory_space<semaphore_mem>>) src(%dma_wait3A_39 : memref<640x128xf32, #tpu.memory_space<vmem_shared>>) dst(%dma_wait3A_37 : memref<640x128xf32, #tpu.memory_space<hbm>>)
      tpu.yield
    }) : () -> ()
    "tpu.region"() ({
      %run_scoped3A = tpu.sem_alloc : memref<!tpu.dma_semaphore, #tpu.memory_space<semaphore_mem>>
      %dma_start3A = arith.constant 0 : i32
      %dma_start3A_32 = tpu.memref_slice %arg6[%add3A, %dma_start3A] : memref<32x10240xf32, #tpu.memory_space<hbm>> -> memref<1x10240xf32, #tpu.memory_space<hbm>>
      %dma_start3A_33 = tpu.memref_squeeze %dma_start3A_32 : memref<1x10240xf32, #tpu.memory_space<hbm>> -> memref<10240xf32, #tpu.memory_space<hbm>>
      %dma_start3A_34 = arith.constant 0 : i32
      %dma_start3A_35 = tpu.memref_slice %arg6[%add3A, %dma_start3A_34] : memref<32x10240xf32, #tpu.memory_space<hbm>> -> memref<1x10240xf32, #tpu.memory_space<hbm>>
      %dma_start3A_36 = tpu.memref_squeeze %dma_start3A_35 : memref<1x10240xf32, #tpu.memory_space<hbm>> -> memref<10240xf32, #tpu.memory_space<hbm>>
      tpu.enqueue_dma source(%arg11 : memref<10240xf32, #tpu.memory_space<vmem>>) target(%dma_start3A_36 : memref<10240xf32, #tpu.memory_space<hbm>>) target_semaphore(%run_scoped3A : memref<!tpu.dma_semaphore, #tpu.memory_space<semaphore_mem>>)
      %dma_wait3A = arith.constant 0 : i32
      %dma_wait3A_37 = tpu.memref_slice %arg6[%add3A, %dma_wait3A] : memref<32x10240xf32, #tpu.memory_space<hbm>> -> memref<1x10240xf32, #tpu.memory_space<hbm>>
      %dma_wait3A_38 = tpu.memref_squeeze %dma_wait3A_37 : memref<1x10240xf32, #tpu.memory_space<hbm>> -> memref<10240xf32, #tpu.memory_space<hbm>>
      %dma_wait3A_39 = arith.constant 0 : i32
      %dma_wait3A_40 = tpu.memref_slice %arg6[%add3A, %dma_wait3A_39] : memref<32x10240xf32, #tpu.memory_space<hbm>> -> memref<1x10240xf32, #tpu.memory_space<hbm>>
      %dma_wait3A_41 = tpu.memref_squeeze %dma_wait3A_40 : memref<1x10240xf32, #tpu.memory_space<hbm>> -> memref<10240xf32, #tpu.memory_space<hbm>>
      tpu.wait_dma2 semaphore(%run_scoped3A : memref<!tpu.dma_semaphore, #tpu.memory_space<semaphore_mem>>) src(%arg11 : memref<10240xf32, #tpu.memory_space<vmem>>) dst(%dma_wait3A_41 : memref<10240xf32, #tpu.memory_space<hbm>>)
      tpu.yield
    }) : () -> ()
    return
  }
}

module attributes {stable_mosaic.version = 14 : i64} {
  func.func @_ha_kernel(%arg0: i32, %arg1: memref<256x128xf32, #tpu.memory_space<vmem>>, %arg2: memref<128x128xf32, #tpu.memory_space<vmem>>, %arg3: memref<1x128xf32, #tpu.memory_space<vmem>>, %arg4: memref<1x128xf32, #tpu.memory_space<vmem>>, %arg5: memref<256x128xf32, #tpu.memory_space<vmem>>, %arg6: memref<256x1xf32, #tpu.memory_space<vmem>>, %arg7: memref<256x1xf32, #tpu.memory_space<vmem>>) attributes {dimension_semantics = [#tpu.dimension_semantics<arbitrary>], iteration_bounds = array<i64: 40>, scalar_prefetch = 0 : i64, scratch_operands = 0 : i64, tpu.core_type = #tpu.core_type<tc>, window_params = [{transform_indices = @transform_0, window_bounds = array<i64: 256, 128>}, {pipeline_mode = #tpu.pipeline_mode<synchronous>, transform_indices = @transform_1, window_bounds = array<i64: 128, 128>}, {pipeline_mode = #tpu.pipeline_mode<synchronous>, transform_indices = @transform_2, window_bounds = array<i64: 1, 128>}, {pipeline_mode = #tpu.pipeline_mode<synchronous>, transform_indices = @transform_3, window_bounds = array<i64: 1, 128>}, {transform_indices = @transform_4, window_bounds = array<i64: 256, 128>}, {transform_indices = @transform_5, window_bounds = array<i64: 256, 1>}, {transform_indices = @transform_6, window_bounds = array<i64: 256, 1>}]} {
    %get3A = arith.constant 0 : index
    %get3A_0 = arith.constant 0 : index
    %get3A_1 = vector.load %arg1[%get3A, %get3A_0] : memref<256x128xf32, #tpu.memory_space<vmem>>, vector<256x128xf32>
    %get3A_2 = arith.constant 0 : index
    %get3A_3 = arith.constant 0 : index
    %get3A_4 = vector.load %arg2[%get3A_2, %get3A_3] : memref<128x128xf32, #tpu.memory_space<vmem>>, vector<128x128xf32>
    %dot_general3A = arith.constant dense<0.000000e+00> : vector<256x128xf32>
    %dot_general3A_5 = tpu.matmul %get3A_1, %get3A_4, %dot_general3A {dimension_numbers = #tpu.dot_dimension_numbers<[1], [0], [0], [1], [0, 0, 1, 1], [], []>, transpose_lhs_hint = false} : vector<256x128xf32>, vector<128x128xf32>, vector<256x128xf32> -> vector<256x128xf32>
    %swap3A = arith.constant 0 : index
    %swap3A_6 = arith.constant 0 : index
    %swap3A_7 = vector.load %arg5[%swap3A, %swap3A_6] : memref<256x128xf32, #tpu.memory_space<vmem>>, vector<256x128xf32>
    tpu.vector_store %arg5[%swap3A, %swap3A_6], %dot_general3A_5 {strides = array<i32>} : memref<256x128xf32, #tpu.memory_space<vmem>>, vector<256x128xf32>,
    %get3A_8 = arith.constant 0 : index
    %get3A_9 = arith.constant 0 : index
    %get3A_10 = vector.load %arg3[%get3A_8, %get3A_9] : memref<1x128xf32, #tpu.memory_space<vmem>>, vector<1x128xf32>
    %mul3A = vector.broadcast %get3A_10 : vector<1x128xf32> to vector<256x128xf32>
    %mul3A_11 = arith.mulf %dot_general3A_5, %mul3A : vector<256x128xf32>
    %reduce_sum3A = arith.constant dense<0.000000e+00> : vector<256xf32>
    %reduce_sum3A_12 = vector.multi_reduction <add>, %mul3A_11, %reduce_sum3A [1] : vector<256x128xf32> to vector<256xf32>
    %broadcast_in_dim3A = vector.shape_cast %reduce_sum3A_12 : vector<256xf32> to vector<256x1xf32>
    %swap3A_13 = arith.constant 0 : index
    %swap3A_14 = arith.constant 0 : index
    %swap3A_15 = vector.load %arg6[%swap3A_13, %swap3A_14] : memref<256x1xf32, #tpu.memory_space<vmem>>, vector<256x1xf32>
    tpu.vector_store %arg6[%swap3A_13, %swap3A_14], %broadcast_in_dim3A {strides = array<i32>} : memref<256x1xf32, #tpu.memory_space<vmem>>, vector<256x1xf32>,
    %get3A_16 = arith.constant 0 : index
    %get3A_17 = arith.constant 0 : index
    %get3A_18 = vector.load %arg4[%get3A_16, %get3A_17] : memref<1x128xf32, #tpu.memory_space<vmem>>, vector<1x128xf32>
    %mul3A_19 = vector.broadcast %get3A_18 : vector<1x128xf32> to vector<256x128xf32>
    %mul3A_20 = arith.mulf %dot_general3A_5, %mul3A_19 : vector<256x128xf32>
    %reduce_sum3A_21 = arith.constant dense<0.000000e+00> : vector<256xf32>
    %reduce_sum3A_22 = vector.multi_reduction <add>, %mul3A_20, %reduce_sum3A_21 [1] : vector<256x128xf32> to vector<256xf32>
    %broadcast_in_dim3A_23 = vector.shape_cast %reduce_sum3A_22 : vector<256xf32> to vector<256x1xf32>
    %swap3A_24 = arith.constant 0 : index
    %swap3A_25 = arith.constant 0 : index
    %swap3A_26 = vector.load %arg7[%swap3A_24, %swap3A_25] : memref<256x1xf32, #tpu.memory_space<vmem>>, vector<256x1xf32>
    tpu.vector_store %arg7[%swap3A_24, %swap3A_25], %broadcast_in_dim3A_23 {strides = array<i32>} : memref<256x1xf32, #tpu.memory_space<vmem>>, vector<256x1xf32>,
    return
  }
  func.func @transform_0(%arg0: i32) -> (i32, i32) {
    %c0_i32 = arith.constant 0 : i32
    %c0_i32_0 = arith.constant 0 : i32
    return %arg0, %c0_i32 : i32, i32
  }
  func.func @transform_1(%arg0: i32) -> (i32, i32) {
    %c0_i32 = arith.constant 0 : i32
    %c0_i32_0 = arith.constant 0 : i32
    %c0_i32_1 = arith.constant 0 : i32
    return %c0_i32, %c0_i32_0 : i32, i32
  }
  func.func @transform_2(%arg0: i32) -> (i32, i32) {
    %c0_i32 = arith.constant 0 : i32
    %c0_i32_0 = arith.constant 0 : i32
    %c0_i32_1 = arith.constant 0 : i32
    return %c0_i32, %c0_i32_0 : i32, i32
  }
  func.func @transform_3(%arg0: i32) -> (i32, i32) {
    %c0_i32 = arith.constant 0 : i32
    %c0_i32_0 = arith.constant 0 : i32
    %c0_i32_1 = arith.constant 0 : i32
    return %c0_i32, %c0_i32_0 : i32, i32
  }
  func.func @transform_4(%arg0: i32) -> (i32, i32) {
    %c0_i32 = arith.constant 0 : i32
    %c0_i32_0 = arith.constant 0 : i32
    return %arg0, %c0_i32 : i32, i32
  }
  func.func @transform_5(%arg0: i32) -> (i32, i32) {
    %c0_i32 = arith.constant 0 : i32
    %c0_i32_0 = arith.constant 0 : i32
    return %arg0, %c0_i32 : i32, i32
  }
  func.func @transform_6(%arg0: i32) -> (i32, i32) {
    %c0_i32 = arith.constant 0 : i32
    %c0_i32_0 = arith.constant 0 : i32
    return %arg0, %c0_i32 : i32, i32
  }
}

module attributes {stable_mosaic.version = 14 : i64} {
  func.func @_knn_kernel(%arg0: i32, %arg1: memref<256x8xf32, #tpu.memory_space<vmem>>, %arg2: memref<8x10240xf32, #tpu.memory_space<vmem>>, %arg3: memref<1x10240xf32, #tpu.memory_space<vmem>>, %arg4: memref<256x1xf32, #tpu.memory_space<vmem>>, %arg5: memref<256x128xf32, #tpu.memory_space<vmem>>, %arg6: memref<256x20xi32, #tpu.memory_space<vmem>>, %arg7: memref<256x20xf32, #tpu.memory_space<vmem>>, %arg8: memref<20x256x128xf32, #tpu.memory_space<vmem>>, %arg9: memref<256x10240xf32, #tpu.memory_space<vmem>>, %arg10: memref<256x128xf32, #tpu.memory_space<vmem>>) attributes {dimension_semantics = [#tpu.dimension_semantics<arbitrary>], iteration_bounds = array<i64: 40>, scalar_prefetch = 0 : i64, scratch_operands = 2 : i64, tpu.core_type = #tpu.core_type<tc>, window_params = [{transform_indices = @transform_0, window_bounds = array<i64: 256, 8>}, {pipeline_mode = #tpu.pipeline_mode<synchronous>, transform_indices = @transform_1, window_bounds = array<i64: 8, 10240>}, {pipeline_mode = #tpu.pipeline_mode<synchronous>, transform_indices = @transform_2, window_bounds = array<i64: 1, 10240>}, {transform_indices = @transform_3, window_bounds = array<i64: 256, 1>}, {transform_indices = @transform_4, window_bounds = array<i64: 256, 128>}, {transform_indices = @transform_5, window_bounds = array<i64: 256, 20>}, {transform_indices = @transform_6, window_bounds = array<i64: 256, 20>}, {transform_indices = @transform_7, window_bounds = array<i64: 20, 256, 128>}]} {
    %get3A = arith.constant 0 : index
    %get3A_0 = arith.constant 0 : index
    %get3A_1 = vector.load %arg1[%get3A, %get3A_0] : memref<256x8xf32, #tpu.memory_space<vmem>>, vector<256x8xf32>
    %mul3A = arith.mulf %get3A_1, %get3A_1 : vector<256x8xf32>
    %reduce_sum3A = arith.constant dense<0.000000e+00> : vector<256xf32>
    %reduce_sum3A_2 = vector.multi_reduction <add>, %mul3A, %reduce_sum3A [1] : vector<256x8xf32> to vector<256xf32>
    %broadcast_in_dim3A = vector.shape_cast %reduce_sum3A_2 : vector<256xf32> to vector<256x1xf32>
    %iota3A = tpu.iota {dimensions = array<i32: 0>} : vector<256x1xi32>
    %mul3A_3 = arith.constant 256 : i32
    %mul3A_4 = arith.muli %arg0, %mul3A_3 : i32
    %add3A = vector.broadcast %mul3A_4 : i32 to vector<256x1xi32>
    %add3A_5 = arith.addi %iota3A, %add3A : vector<256x1xi32>
    %lt3A = arith.constant 10000 : i32
    %lt3A_6 = vector.broadcast %lt3A : i32 to vector<256x1xi32>
    %lt3A_7 = arith.cmpi slt, %add3A_5, %lt3A_6 : vector<256x1xi32>
    %scan3A = arith.constant 0 : i32
    %scan3A_8 = arith.constant 10 : i32
    %scan3A_9 = arith.addi %scan3A, %scan3A_8 : i32
    %scan3A_10 = arith.constant 1 : i32
    scf.for %scan3A_221 = %scan3A to %scan3A_9 step %scan3A_10  : i32 {
      %mul3A_222 = arith.constant 1024 : i32
      %mul3A_223 = arith.muli %scan3A_221, %mul3A_222 : i32
      %multiple_of3A = tpu.assume_multiple %mul3A_223, 1024 : i32
      %get3A_224 = arith.constant 0 : index
      %get3A_225 = arith.index_cast %multiple_of3A : i32 to index
      %get3A_226 = vector.load %arg2[%get3A_224, %get3A_225] : memref<8x10240xf32, #tpu.memory_space<vmem>>, vector<8x1024xf32>
      %dot_general3A = arith.constant dense<0.000000e+00> : vector<256x1024xf32>
      %dot_general3A_227 = tpu.matmul %get3A_1, %get3A_226, %dot_general3A {dimension_numbers = #tpu.dot_dimension_numbers<[1], [0], [0], [1], [0, 0, 1, 1], [], []>, transpose_lhs_hint = false} : vector<256x8xf32>, vector<8x1024xf32>, vector<256x1024xf32> -> vector<256x1024xf32>
      %mul3A_228 = arith.mulf %get3A_226, %get3A_226 : vector<8x1024xf32>
      %reduce_sum3A_229 = arith.constant dense<0.000000e+00> : vector<1024xf32>
      %reduce_sum3A_230 = vector.multi_reduction <add>, %mul3A_228, %reduce_sum3A_229 [0] : vector<8x1024xf32> to vector<1024xf32>
      %broadcast_in_dim3A_231 = vector.shape_cast %reduce_sum3A_230 : vector<1024xf32> to vector<1x1024xf32>
      %add3A_232 = vector.broadcast %broadcast_in_dim3A : vector<256x1xf32> to vector<256x1024xf32>
      %add3A_233 = vector.broadcast %broadcast_in_dim3A_231 : vector<1x1024xf32> to vector<256x1024xf32>
      %add3A_234 = arith.addf %add3A_232, %add3A_233 : vector<256x1024xf32>
      %mul3A_235 = arith.constant 2.000000e+00 : f32
      %mul3A_236 = vector.broadcast %mul3A_235 : f32 to vector<256x1024xf32>
      %mul3A_237 = arith.mulf %mul3A_236, %dot_general3A_227 : vector<256x1024xf32>
      %sub3A = arith.subf %add3A_234, %mul3A_237 : vector<256x1024xf32>
      %iota3A_238 = tpu.iota {dimensions = array<i32: 1>} : vector<256x1024xi32>
      %mul3A_239 = arith.constant 1024 : i32
      %mul3A_240 = arith.muli %scan3A_221, %mul3A_239 : i32
      %add3A_241 = vector.broadcast %mul3A_240 : i32 to vector<256x1024xi32>
      %add3A_242 = arith.addi %iota3A_238, %add3A_241 : vector<256x1024xi32>
      %ge3A_243 = arith.constant 10000 : i32
      %ge3A_244 = vector.broadcast %ge3A_243 : i32 to vector<256x1024xi32>
      %ge3A_245 = arith.cmpi sge, %add3A_242, %ge3A_244 : vector<256x1024xi32>
      %eq3A = vector.broadcast %add3A_5 : vector<256x1xi32> to vector<256x1024xi32>
      %eq3A_246 = arith.cmpi eq, %add3A_242, %eq3A : vector<256x1024xi32>
      %or3A = arith.ori %ge3A_245, %eq3A_246 : vector<256x1024xi1>
      %jit3A_247 = arith.constant 0x7F800000 : f32
      %broadcast_in_dim3A_248 = vector.broadcast %jit3A_247 : f32 to vector<256x1024xf32>
      %select_n3A_249 = arith.select %or3A, %broadcast_in_dim3A_248, %sub3A : vector<256x1024xi1>, vector<256x1024xf32>
      %swap3A_250 = arith.constant 0 : index
      %swap3A_251 = arith.index_cast %multiple_of3A : i32 to index
      %swap3A_252 = vector.load %arg9[%swap3A_250, %swap3A_251] : memref<256x10240xf32, #tpu.memory_space<vmem>>, vector<256x1024xf32>
      tpu.vector_store %arg9[%swap3A_250, %swap3A_251], %select_n3A_249 {strides = array<i32>} : memref<256x10240xf32, #tpu.memory_space<vmem>>, vector<256x1024xf32>,
    }
    %scan3A_11 = arith.constant 10 : i32
    %broadcast_in_dim3A_12 = arith.constant -1 : i32
    %broadcast_in_dim3A_13 = vector.broadcast %broadcast_in_dim3A_12 : i32 to vector<256x1xi32>
    %scan3A_14 = arith.constant 0 : i32
    %scan3A_15 = arith.constant 20 : i32
    %scan3A_16 = arith.addi %scan3A_14, %scan3A_15 : i32
    %scan3A_17 = arith.constant 1 : i32
    %scan3A_18 = scf.for %scan3A_221 = %scan3A_14 to %scan3A_16 step %scan3A_17 iter_args(%scan3A_222 = %broadcast_in_dim3A_13) -> (vector<256x1xi32>)  : i32 {
      %broadcast_in_dim3A_223 = arith.constant 0x7F800000 : f32
      %broadcast_in_dim3A_224 = vector.broadcast %broadcast_in_dim3A_223 : f32 to vector<256x1xf32>
      %broadcast_in_dim3A_225 = arith.constant 2147483647 : i32
      %broadcast_in_dim3A_226 = vector.broadcast %broadcast_in_dim3A_225 : i32 to vector<256x1xi32>
      %scan3A_227 = arith.constant 0 : i32
      %scan3A_228 = arith.constant 10 : i32
      %scan3A_229 = arith.addi %scan3A_227, %scan3A_228 : i32
      %scan3A_230 = arith.constant 1 : i32
      %scan3A_231:2 = scf.for %scan3A_339 = %scan3A_227 to %scan3A_229 step %scan3A_230 iter_args(%scan3A_340 = %broadcast_in_dim3A_224, %scan3A_341 = %broadcast_in_dim3A_226) -> (vector<256x1xf32>, vector<256x1xi32>)  : i32 {
        %mul3A_342 = arith.constant 1024 : i32
        %mul3A_343 = arith.muli %scan3A_339, %mul3A_342 : i32
        %multiple_of3A = tpu.assume_multiple %mul3A_343, 1024 : i32
        %get3A_344 = arith.constant 0 : index
        %get3A_345 = arith.index_cast %multiple_of3A : i32 to index
        %get3A_346 = vector.load %arg9[%get3A_344, %get3A_345] : memref<256x10240xf32, #tpu.memory_space<vmem>>, vector<256x1024xf32>
        %iota3A_347 = tpu.iota {dimensions = array<i32: 1>} : vector<256x1024xi32>
        %mul3A_348 = arith.constant 1024 : i32
        %mul3A_349 = arith.muli %scan3A_339, %mul3A_348 : i32
        %add3A_350 = vector.broadcast %mul3A_349 : i32 to vector<256x1024xi32>
        %add3A_351 = arith.addi %iota3A_347, %add3A_350 : vector<256x1024xi32>
        %eq3A_352 = vector.broadcast %scan3A_222 : vector<256x1xi32> to vector<256x1024xi32>
        %eq3A_353 = arith.cmpi eq, %add3A_351, %eq3A_352 : vector<256x1024xi32>
        %jit3A_354 = arith.constant 0x7F800000 : f32
        %broadcast_in_dim3A_355 = vector.broadcast %jit3A_354 : f32 to vector<256x1024xf32>
        %select_n3A_356 = arith.select %eq3A_353, %broadcast_in_dim3A_355, %get3A_346 : vector<256x1024xi1>, vector<256x1024xf32>
        %swap3A_357 = arith.constant 0 : index
        %swap3A_358 = arith.index_cast %multiple_of3A : i32 to index
        %swap3A_359 = vector.load %arg9[%swap3A_357, %swap3A_358] : memref<256x10240xf32, #tpu.memory_space<vmem>>, vector<256x1024xf32>
        tpu.vector_store %arg9[%swap3A_357, %swap3A_358], %select_n3A_356 {strides = array<i32>} : memref<256x10240xf32, #tpu.memory_space<vmem>>, vector<256x1024xf32>,
        %reduce_min3A = arith.constant dense<0x7F800000> : vector<256xf32>
        %reduce_min3A_360 = vector.multi_reduction <minimumf>, %select_n3A_356, %reduce_min3A [1] : vector<256x1024xf32> to vector<256xf32>
        %broadcast_in_dim3A_361 = vector.shape_cast %reduce_min3A_360 : vector<256xf32> to vector<256x1xf32>
        %eq3A_362 = vector.broadcast %broadcast_in_dim3A_361 : vector<256x1xf32> to vector<256x1024xf32>
        %eq3A_363 = arith.cmpf oeq, %select_n3A_356, %eq3A_362 : vector<256x1024xf32>
        %get3A_364 = arith.constant 0 : index
        %get3A_365 = arith.index_cast %multiple_of3A : i32 to index
        %get3A_366 = vector.load %arg3[%get3A_364, %get3A_365] : memref<1x10240xf32, #tpu.memory_space<vmem>>, vector<1x1024xf32>
        %jit3A_367 = arith.constant -1.590000e+01 : f32
        %jit3A_368 = arith.constant 1.590000e+01 : f32
        %max3A = vector.broadcast %jit3A_367 : f32 to vector<1x1024xf32>
        %max3A_369 = arith.maximumf %max3A, %get3A_366 : vector<1x1024xf32>
        %min3A = vector.broadcast %jit3A_368 : f32 to vector<1x1024xf32>
        %min3A_370 = arith.minimumf %min3A, %max3A_369 : vector<1x1024xf32>
        %add3A_371 = arith.constant 1.600000e+01 : f32
        %add3A_372 = vector.broadcast %add3A_371 : f32 to vector<1x1024xf32>
        %add3A_373 = arith.addf %min3A_370, %add3A_372 : vector<1x1024xf32>
        %mul3A_374 = arith.constant 4.096000e+03 : f32
        %mul3A_375 = vector.broadcast %mul3A_374 : f32 to vector<1x1024xf32>
        %mul3A_376 = arith.mulf %add3A_373, %mul3A_375 : vector<1x1024xf32>
        %convert_element_type3A_377 = arith.fptosi %mul3A_376 : vector<1x1024xf32> to vector<1x1024xi32>
        %shift_left3A = arith.constant 14 : i32
        %shift_left3A_378 = vector.broadcast %shift_left3A : i32 to vector<1x1024xi32>
        %shift_left3A_379 = arith.shli %convert_element_type3A_377, %shift_left3A_378 : vector<1x1024xi32>
        %or3A = vector.broadcast %shift_left3A_379 : vector<1x1024xi32> to vector<256x1024xi32>
        %or3A_380 = arith.ori %or3A, %add3A_351 : vector<256x1024xi32>
        %jit3A_381 = arith.constant 2147483647 : i32
        %broadcast_in_dim3A_382 = vector.broadcast %jit3A_381 : i32 to vector<256x1024xi32>
        %select_n3A_383 = arith.select %eq3A_363, %or3A_380, %broadcast_in_dim3A_382 : vector<256x1024xi1>, vector<256x1024xi32>
        %reduce_min3A_384 = arith.constant dense<2147483647> : vector<256xi32>
        %reduce_min3A_385 = vector.multi_reduction <minsi>, %select_n3A_383, %reduce_min3A_384 [1] : vector<256x1024xi32> to vector<256xi32>
        %broadcast_in_dim3A_386 = vector.shape_cast %reduce_min3A_385 : vector<256xi32> to vector<256x1xi32>
        %lt3A_387 = arith.cmpf olt, %broadcast_in_dim3A_361, %scan3A_340 : vector<256x1xf32>
        %eq3A_388 = arith.cmpf oeq, %broadcast_in_dim3A_361, %scan3A_340 : vector<256x1xf32>
        %lt3A_389 = arith.cmpi slt, %broadcast_in_dim3A_386, %scan3A_341 : vector<256x1xi32>
        %and3A_390 = arith.andi %eq3A_388, %lt3A_389 : vector<256x1xi1>
        %or3A_391 = arith.ori %lt3A_387, %and3A_390 : vector<256x1xi1>
        %select_n3A_392 = arith.select %or3A_391, %broadcast_in_dim3A_361, %scan3A_340 : vector<256x1xi1>, vector<256x1xf32>
        %select_n3A_393 = arith.select %or3A_391, %broadcast_in_dim3A_386, %scan3A_341 : vector<256x1xi1>, vector<256x1xi32>
        scf.yield %select_n3A_392, %select_n3A_393 : vector<256x1xf32>, vector<256x1xi32>
      }
      %scan3A_232 = arith.constant 10 : i32
      %and3A = arith.constant 16383 : i32
      %and3A_233 = vector.broadcast %and3A : i32 to vector<256x1xi32>
      %and3A_234 = arith.andi %scan3A_231#1, %and3A_233 : vector<256x1xi32>
      %shift_right_arithmetic3A = arith.constant 14 : i32
      %shift_right_arithmetic3A_235 = vector.broadcast %shift_right_arithmetic3A : i32 to vector<256x1xi32>
      %shift_right_arithmetic3A_236 = arith.shrsi %scan3A_231#1, %shift_right_arithmetic3A_235 : vector<256x1xi32>
      %convert_element_type3A = arith.sitofp %shift_right_arithmetic3A_236 : vector<256x1xi32> to vector<256x1xf32>
      %div3A = arith.constant 4.096000e+03 : f32
      %div3A_237 = vector.broadcast %div3A : f32 to vector<256x1xf32>
      %div3A_238 = arith.divf %convert_element_type3A, %div3A_237 : vector<256x1xf32>
      %sub3A = arith.constant 1.600000e+01 : f32
      %sub3A_239 = vector.broadcast %sub3A : f32 to vector<256x1xf32>
      %sub3A_240 = arith.subf %div3A_238, %sub3A_239 : vector<256x1xf32>
      %eq3A = arith.constant 0 : i32
      %eq3A_241 = arith.cmpi eq, %scan3A_221, %eq3A : i32
      %convert_element_type3A_242 = arith.extui %eq3A_241 : i1 to i32
      %cond3A = arith.constant 0 : i32
      %cond3A_243 = arith.cmpi ne, %convert_element_type3A_242, %cond3A : i32
      scf.if %cond3A_243 {
        %jit3A_339 = arith.constant 0 : i32
        %broadcast_in_dim3A_340 = vector.broadcast %jit3A_339 : i32 to vector<256x1xi32>
        %select_n3A_341 = arith.select %lt3A_7, %and3A_234, %broadcast_in_dim3A_340 : vector<256x1xi1>, vector<256x1xi32>
        %swap3A_342 = arith.constant 0 : index
        %swap3A_343 = arith.constant 0 : index
        %swap3A_344 = vector.load %arg6[%swap3A_342, %swap3A_343] : memref<256x20xi32, #tpu.memory_space<vmem>>, vector<256x1xi32>
        tpu.vector_store %arg6[%swap3A_342, %swap3A_343], %select_n3A_341 {strides = array<i32>} : memref<256x20xi32, #tpu.memory_space<vmem>>, vector<256x1xi32>,
        %swap3A_345 = arith.constant 0 : index
        %swap3A_346 = arith.constant 0 : index
        %swap3A_347 = vector.load %arg10[%swap3A_345, %swap3A_346] : memref<256x128xf32, #tpu.memory_space<vmem>>, vector<256x1xf32>
        tpu.vector_store %arg10[%swap3A_345, %swap3A_346], %sub3A_240 {strides = array<i32>} : memref<256x128xf32, #tpu.memory_space<vmem>>, vector<256x1xf32>,
      } else {
      }
      %eq3A_244 = arith.constant 1 : i32
      %eq3A_245 = arith.cmpi eq, %scan3A_221, %eq3A_244 : i32
      %convert_element_type3A_246 = arith.extui %eq3A_245 : i1 to i32
      %cond3A_247 = arith.constant 0 : i32
      %cond3A_248 = arith.cmpi ne, %convert_element_type3A_246, %cond3A_247 : i32
      scf.if %cond3A_248 {
        %jit3A_339 = arith.constant 0 : i32
        %broadcast_in_dim3A_340 = vector.broadcast %jit3A_339 : i32 to vector<256x1xi32>
        %select_n3A_341 = arith.select %lt3A_7, %and3A_234, %broadcast_in_dim3A_340 : vector<256x1xi1>, vector<256x1xi32>
        %swap3A_342 = arith.constant 0 : index
        %swap3A_343 = arith.constant 1 : index
        %swap3A_344 = vector.load %arg6[%swap3A_342, %swap3A_343] : memref<256x20xi32, #tpu.memory_space<vmem>>, vector<256x1xi32>
        tpu.vector_store %arg6[%swap3A_342, %swap3A_343], %select_n3A_341 {strides = array<i32>} : memref<256x20xi32, #tpu.memory_space<vmem>>, vector<256x1xi32>,
        %swap3A_345 = arith.constant 0 : index
        %swap3A_346 = arith.constant 1 : index
        %swap3A_347 = vector.load %arg10[%swap3A_345, %swap3A_346] : memref<256x128xf32, #tpu.memory_space<vmem>>, vector<256x1xf32>
        tpu.vector_store %arg10[%swap3A_345, %swap3A_346], %sub3A_240 {strides = array<i32>} : memref<256x128xf32, #tpu.memory_space<vmem>>, vector<256x1xf32>,
      } else {
      }
      %eq3A_249 = arith.constant 2 : i32
      %eq3A_250 = arith.cmpi eq, %scan3A_221, %eq3A_249 : i32
      %convert_element_type3A_251 = arith.extui %eq3A_250 : i1 to i32
      %cond3A_252 = arith.constant 0 : i32
      %cond3A_253 = arith.cmpi ne, %convert_element_type3A_251, %cond3A_252 : i32
      scf.if %cond3A_253 {
        %jit3A_339 = arith.constant 0 : i32
        %broadcast_in_dim3A_340 = vector.broadcast %jit3A_339 : i32 to vector<256x1xi32>
        %select_n3A_341 = arith.select %lt3A_7, %and3A_234, %broadcast_in_dim3A_340 : vector<256x1xi1>, vector<256x1xi32>
        %swap3A_342 = arith.constant 0 : index
        %swap3A_343 = arith.constant 2 : index
        %swap3A_344 = vector.load %arg6[%swap3A_342, %swap3A_343] : memref<256x20xi32, #tpu.memory_space<vmem>>, vector<256x1xi32>
        tpu.vector_store %arg6[%swap3A_342, %swap3A_343], %select_n3A_341 {strides = array<i32>} : memref<256x20xi32, #tpu.memory_space<vmem>>, vector<256x1xi32>,
        %swap3A_345 = arith.constant 0 : index
        %swap3A_346 = arith.constant 2 : index
        %swap3A_347 = vector.load %arg10[%swap3A_345, %swap3A_346] : memref<256x128xf32, #tpu.memory_space<vmem>>, vector<256x1xf32>
        tpu.vector_store %arg10[%swap3A_345, %swap3A_346], %sub3A_240 {strides = array<i32>} : memref<256x128xf32, #tpu.memory_space<vmem>>, vector<256x1xf32>,
      } else {
      }
      %eq3A_254 = arith.constant 3 : i32
      %eq3A_255 = arith.cmpi eq, %scan3A_221, %eq3A_254 : i32
      %convert_element_type3A_256 = arith.extui %eq3A_255 : i1 to i32
      %cond3A_257 = arith.constant 0 : i32
      %cond3A_258 = arith.cmpi ne, %convert_element_type3A_256, %cond3A_257 : i32
      scf.if %cond3A_258 {
        %jit3A_339 = arith.constant 0 : i32
        %broadcast_in_dim3A_340 = vector.broadcast %jit3A_339 : i32 to vector<256x1xi32>
        %select_n3A_341 = arith.select %lt3A_7, %and3A_234, %broadcast_in_dim3A_340 : vector<256x1xi1>, vector<256x1xi32>
        %swap3A_342 = arith.constant 0 : index
        %swap3A_343 = arith.constant 3 : index
        %swap3A_344 = vector.load %arg6[%swap3A_342, %swap3A_343] : memref<256x20xi32, #tpu.memory_space<vmem>>, vector<256x1xi32>
        tpu.vector_store %arg6[%swap3A_342, %swap3A_343], %select_n3A_341 {strides = array<i32>} : memref<256x20xi32, #tpu.memory_space<vmem>>, vector<256x1xi32>,
        %swap3A_345 = arith.constant 0 : index
        %swap3A_346 = arith.constant 3 : index
        %swap3A_347 = vector.load %arg10[%swap3A_345, %swap3A_346] : memref<256x128xf32, #tpu.memory_space<vmem>>, vector<256x1xf32>
        tpu.vector_store %arg10[%swap3A_345, %swap3A_346], %sub3A_240 {strides = array<i32>} : memref<256x128xf32, #tpu.memory_space<vmem>>, vector<256x1xf32>,
      } else {
      }
      %eq3A_259 = arith.constant 4 : i32
      %eq3A_260 = arith.cmpi eq, %scan3A_221, %eq3A_259 : i32
      %convert_element_type3A_261 = arith.extui %eq3A_260 : i1 to i32
      %cond3A_262 = arith.constant 0 : i32
      %cond3A_263 = arith.cmpi ne, %convert_element_type3A_261, %cond3A_262 : i32
      scf.if %cond3A_263 {
        %jit3A_339 = arith.constant 0 : i32
        %broadcast_in_dim3A_340 = vector.broadcast %jit3A_339 : i32 to vector<256x1xi32>
        %select_n3A_341 = arith.select %lt3A_7, %and3A_234, %broadcast_in_dim3A_340 : vector<256x1xi1>, vector<256x1xi32>
        %swap3A_342 = arith.constant 0 : index
        %swap3A_343 = arith.constant 4 : index
        %swap3A_344 = vector.load %arg6[%swap3A_342, %swap3A_343] : memref<256x20xi32, #tpu.memory_space<vmem>>, vector<256x1xi32>
        tpu.vector_store %arg6[%swap3A_342, %swap3A_343], %select_n3A_341 {strides = array<i32>} : memref<256x20xi32, #tpu.memory_space<vmem>>, vector<256x1xi32>,
        %swap3A_345 = arith.constant 0 : index
        %swap3A_346 = arith.constant 4 : index
        %swap3A_347 = vector.load %arg10[%swap3A_345, %swap3A_346] : memref<256x128xf32, #tpu.memory_space<vmem>>, vector<256x1xf32>
        tpu.vector_store %arg10[%swap3A_345, %swap3A_346], %sub3A_240 {strides = array<i32>} : memref<256x128xf32, #tpu.memory_space<vmem>>, vector<256x1xf32>,
      } else {
      }
      %eq3A_264 = arith.constant 5 : i32
      %eq3A_265 = arith.cmpi eq, %scan3A_221, %eq3A_264 : i32
      %convert_element_type3A_266 = arith.extui %eq3A_265 : i1 to i32
      %cond3A_267 = arith.constant 0 : i32
      %cond3A_268 = arith.cmpi ne, %convert_element_type3A_266, %cond3A_267 : i32
      scf.if %cond3A_268 {
        %jit3A_339 = arith.constant 0 : i32
        %broadcast_in_dim3A_340 = vector.broadcast %jit3A_339 : i32 to vector<256x1xi32>
        %select_n3A_341 = arith.select %lt3A_7, %and3A_234, %broadcast_in_dim3A_340 : vector<256x1xi1>, vector<256x1xi32>
        %swap3A_342 = arith.constant 0 : index
        %swap3A_343 = arith.constant 5 : index
        %swap3A_344 = vector.load %arg6[%swap3A_342, %swap3A_343] : memref<256x20xi32, #tpu.memory_space<vmem>>, vector<256x1xi32>
        tpu.vector_store %arg6[%swap3A_342, %swap3A_343], %select_n3A_341 {strides = array<i32>} : memref<256x20xi32, #tpu.memory_space<vmem>>, vector<256x1xi32>,
        %swap3A_345 = arith.constant 0 : index
        %swap3A_346 = arith.constant 5 : index
        %swap3A_347 = vector.load %arg10[%swap3A_345, %swap3A_346] : memref<256x128xf32, #tpu.memory_space<vmem>>, vector<256x1xf32>
        tpu.vector_store %arg10[%swap3A_345, %swap3A_346], %sub3A_240 {strides = array<i32>} : memref<256x128xf32, #tpu.memory_space<vmem>>, vector<256x1xf32>,
      } else {
      }
      %eq3A_269 = arith.constant 6 : i32
      %eq3A_270 = arith.cmpi eq, %scan3A_221, %eq3A_269 : i32
      %convert_element_type3A_271 = arith.extui %eq3A_270 : i1 to i32
      %cond3A_272 = arith.constant 0 : i32
      %cond3A_273 = arith.cmpi ne, %convert_element_type3A_271, %cond3A_272 : i32
      scf.if %cond3A_273 {
        %jit3A_339 = arith.constant 0 : i32
        %broadcast_in_dim3A_340 = vector.broadcast %jit3A_339 : i32 to vector<256x1xi32>
        %select_n3A_341 = arith.select %lt3A_7, %and3A_234, %broadcast_in_dim3A_340 : vector<256x1xi1>, vector<256x1xi32>
        %swap3A_342 = arith.constant 0 : index
        %swap3A_343 = arith.constant 6 : index
        %swap3A_344 = vector.load %arg6[%swap3A_342, %swap3A_343] : memref<256x20xi32, #tpu.memory_space<vmem>>, vector<256x1xi32>
        tpu.vector_store %arg6[%swap3A_342, %swap3A_343], %select_n3A_341 {strides = array<i32>} : memref<256x20xi32, #tpu.memory_space<vmem>>, vector<256x1xi32>,
        %swap3A_345 = arith.constant 0 : index
        %swap3A_346 = arith.constant 6 : index
        %swap3A_347 = vector.load %arg10[%swap3A_345, %swap3A_346] : memref<256x128xf32, #tpu.memory_space<vmem>>, vector<256x1xf32>
        tpu.vector_store %arg10[%swap3A_345, %swap3A_346], %sub3A_240 {strides = array<i32>} : memref<256x128xf32, #tpu.memory_space<vmem>>, vector<256x1xf32>,
      } else {
      }
      %eq3A_274 = arith.constant 7 : i32
      %eq3A_275 = arith.cmpi eq, %scan3A_221, %eq3A_274 : i32
      %convert_element_type3A_276 = arith.extui %eq3A_275 : i1 to i32
      %cond3A_277 = arith.constant 0 : i32
      %cond3A_278 = arith.cmpi ne, %convert_element_type3A_276, %cond3A_277 : i32
      scf.if %cond3A_278 {
        %jit3A_339 = arith.constant 0 : i32
        %broadcast_in_dim3A_340 = vector.broadcast %jit3A_339 : i32 to vector<256x1xi32>
        %select_n3A_341 = arith.select %lt3A_7, %and3A_234, %broadcast_in_dim3A_340 : vector<256x1xi1>, vector<256x1xi32>
        %swap3A_342 = arith.constant 0 : index
        %swap3A_343 = arith.constant 7 : index
        %swap3A_344 = vector.load %arg6[%swap3A_342, %swap3A_343] : memref<256x20xi32, #tpu.memory_space<vmem>>, vector<256x1xi32>
        tpu.vector_store %arg6[%swap3A_342, %swap3A_343], %select_n3A_341 {strides = array<i32>} : memref<256x20xi32, #tpu.memory_space<vmem>>, vector<256x1xi32>,
        %swap3A_345 = arith.constant 0 : index
        %swap3A_346 = arith.constant 7 : index
        %swap3A_347 = vector.load %arg10[%swap3A_345, %swap3A_346] : memref<256x128xf32, #tpu.memory_space<vmem>>, vector<256x1xf32>
        tpu.vector_store %arg10[%swap3A_345, %swap3A_346], %sub3A_240 {strides = array<i32>} : memref<256x128xf32, #tpu.memory_space<vmem>>, vector<256x1xf32>,
      } else {
      }
      %eq3A_279 = arith.constant 8 : i32
      %eq3A_280 = arith.cmpi eq, %scan3A_221, %eq3A_279 : i32
      %convert_element_type3A_281 = arith.extui %eq3A_280 : i1 to i32
      %cond3A_282 = arith.constant 0 : i32
      %cond3A_283 = arith.cmpi ne, %convert_element_type3A_281, %cond3A_282 : i32
      scf.if %cond3A_283 {
        %jit3A_339 = arith.constant 0 : i32
        %broadcast_in_dim3A_340 = vector.broadcast %jit3A_339 : i32 to vector<256x1xi32>
        %select_n3A_341 = arith.select %lt3A_7, %and3A_234, %broadcast_in_dim3A_340 : vector<256x1xi1>, vector<256x1xi32>
        %swap3A_342 = arith.constant 0 : index
        %swap3A_343 = arith.constant 8 : index
        %swap3A_344 = vector.load %arg6[%swap3A_342, %swap3A_343] : memref<256x20xi32, #tpu.memory_space<vmem>>, vector<256x1xi32>
        tpu.vector_store %arg6[%swap3A_342, %swap3A_343], %select_n3A_341 {strides = array<i32>} : memref<256x20xi32, #tpu.memory_space<vmem>>, vector<256x1xi32>,
        %swap3A_345 = arith.constant 0 : index
        %swap3A_346 = arith.constant 8 : index
        %swap3A_347 = vector.load %arg10[%swap3A_345, %swap3A_346] : memref<256x128xf32, #tpu.memory_space<vmem>>, vector<256x1xf32>
        tpu.vector_store %arg10[%swap3A_345, %swap3A_346], %sub3A_240 {strides = array<i32>} : memref<256x128xf32, #tpu.memory_space<vmem>>, vector<256x1xf32>,
      } else {
      }
      %eq3A_284 = arith.constant 9 : i32
      %eq3A_285 = arith.cmpi eq, %scan3A_221, %eq3A_284 : i32
      %convert_element_type3A_286 = arith.extui %eq3A_285 : i1 to i32
      %cond3A_287 = arith.constant 0 : i32
      %cond3A_288 = arith.cmpi ne, %convert_element_type3A_286, %cond3A_287 : i32
      scf.if %cond3A_288 {
        %jit3A_339 = arith.constant 0 : i32
        %broadcast_in_dim3A_340 = vector.broadcast %jit3A_339 : i32 to vector<256x1xi32>
        %select_n3A_341 = arith.select %lt3A_7, %and3A_234, %broadcast_in_dim3A_340 : vector<256x1xi1>, vector<256x1xi32>
        %swap3A_342 = arith.constant 0 : index
        %swap3A_343 = arith.constant 9 : index
        %swap3A_344 = vector.load %arg6[%swap3A_342, %swap3A_343] : memref<256x20xi32, #tpu.memory_space<vmem>>, vector<256x1xi32>
        tpu.vector_store %arg6[%swap3A_342, %swap3A_343], %select_n3A_341 {strides = array<i32>} : memref<256x20xi32, #tpu.memory_space<vmem>>, vector<256x1xi32>,
        %swap3A_345 = arith.constant 0 : index
        %swap3A_346 = arith.constant 9 : index
        %swap3A_347 = vector.load %arg10[%swap3A_345, %swap3A_346] : memref<256x128xf32, #tpu.memory_space<vmem>>, vector<256x1xf32>
        tpu.vector_store %arg10[%swap3A_345, %swap3A_346], %sub3A_240 {strides = array<i32>} : memref<256x128xf32, #tpu.memory_space<vmem>>, vector<256x1xf32>,
      } else {
      }
      %eq3A_289 = arith.constant 10 : i32
      %eq3A_290 = arith.cmpi eq, %scan3A_221, %eq3A_289 : i32
      %convert_element_type3A_291 = arith.extui %eq3A_290 : i1 to i32
      %cond3A_292 = arith.constant 0 : i32
      %cond3A_293 = arith.cmpi ne, %convert_element_type3A_291, %cond3A_292 : i32
      scf.if %cond3A_293 {
        %jit3A_339 = arith.constant 0 : i32
        %broadcast_in_dim3A_340 = vector.broadcast %jit3A_339 : i32 to vector<256x1xi32>
        %select_n3A_341 = arith.select %lt3A_7, %and3A_234, %broadcast_in_dim3A_340 : vector<256x1xi1>, vector<256x1xi32>
        %swap3A_342 = arith.constant 0 : index
        %swap3A_343 = arith.constant 10 : index
        %swap3A_344 = vector.load %arg6[%swap3A_342, %swap3A_343] : memref<256x20xi32, #tpu.memory_space<vmem>>, vector<256x1xi32>
        tpu.vector_store %arg6[%swap3A_342, %swap3A_343], %select_n3A_341 {strides = array<i32>} : memref<256x20xi32, #tpu.memory_space<vmem>>, vector<256x1xi32>,
        %swap3A_345 = arith.constant 0 : index
        %swap3A_346 = arith.constant 10 : index
        %swap3A_347 = vector.load %arg10[%swap3A_345, %swap3A_346] : memref<256x128xf32, #tpu.memory_space<vmem>>, vector<256x1xf32>
        tpu.vector_store %arg10[%swap3A_345, %swap3A_346], %sub3A_240 {strides = array<i32>} : memref<256x128xf32, #tpu.memory_space<vmem>>, vector<256x1xf32>,
      } else {
      }
      %eq3A_294 = arith.constant 11 : i32
      %eq3A_295 = arith.cmpi eq, %scan3A_221, %eq3A_294 : i32
      %convert_element_type3A_296 = arith.extui %eq3A_295 : i1 to i32
      %cond3A_297 = arith.constant 0 : i32
      %cond3A_298 = arith.cmpi ne, %convert_element_type3A_296, %cond3A_297 : i32
      scf.if %cond3A_298 {
        %jit3A_339 = arith.constant 0 : i32
        %broadcast_in_dim3A_340 = vector.broadcast %jit3A_339 : i32 to vector<256x1xi32>
        %select_n3A_341 = arith.select %lt3A_7, %and3A_234, %broadcast_in_dim3A_340 : vector<256x1xi1>, vector<256x1xi32>
        %swap3A_342 = arith.constant 0 : index
        %swap3A_343 = arith.constant 11 : index
        %swap3A_344 = vector.load %arg6[%swap3A_342, %swap3A_343] : memref<256x20xi32, #tpu.memory_space<vmem>>, vector<256x1xi32>
        tpu.vector_store %arg6[%swap3A_342, %swap3A_343], %select_n3A_341 {strides = array<i32>} : memref<256x20xi32, #tpu.memory_space<vmem>>, vector<256x1xi32>,
        %swap3A_345 = arith.constant 0 : index
        %swap3A_346 = arith.constant 11 : index
        %swap3A_347 = vector.load %arg10[%swap3A_345, %swap3A_346] : memref<256x128xf32, #tpu.memory_space<vmem>>, vector<256x1xf32>
        tpu.vector_store %arg10[%swap3A_345, %swap3A_346], %sub3A_240 {strides = array<i32>} : memref<256x128xf32, #tpu.memory_space<vmem>>, vector<256x1xf32>,
      } else {
      }
      %eq3A_299 = arith.constant 12 : i32
      %eq3A_300 = arith.cmpi eq, %scan3A_221, %eq3A_299 : i32
      %convert_element_type3A_301 = arith.extui %eq3A_300 : i1 to i32
      %cond3A_302 = arith.constant 0 : i32
      %cond3A_303 = arith.cmpi ne, %convert_element_type3A_301, %cond3A_302 : i32
      scf.if %cond3A_303 {
        %jit3A_339 = arith.constant 0 : i32
        %broadcast_in_dim3A_340 = vector.broadcast %jit3A_339 : i32 to vector<256x1xi32>
        %select_n3A_341 = arith.select %lt3A_7, %and3A_234, %broadcast_in_dim3A_340 : vector<256x1xi1>, vector<256x1xi32>
        %swap3A_342 = arith.constant 0 : index
        %swap3A_343 = arith.constant 12 : index
        %swap3A_344 = vector.load %arg6[%swap3A_342, %swap3A_343] : memref<256x20xi32, #tpu.memory_space<vmem>>, vector<256x1xi32>
        tpu.vector_store %arg6[%swap3A_342, %swap3A_343], %select_n3A_341 {strides = array<i32>} : memref<256x20xi32, #tpu.memory_space<vmem>>, vector<256x1xi32>,
        %swap3A_345 = arith.constant 0 : index
        %swap3A_346 = arith.constant 12 : index
        %swap3A_347 = vector.load %arg10[%swap3A_345, %swap3A_346] : memref<256x128xf32, #tpu.memory_space<vmem>>, vector<256x1xf32>
        tpu.vector_store %arg10[%swap3A_345, %swap3A_346], %sub3A_240 {strides = array<i32>} : memref<256x128xf32, #tpu.memory_space<vmem>>, vector<256x1xf32>,
      } else {
      }
      %eq3A_304 = arith.constant 13 : i32
      %eq3A_305 = arith.cmpi eq, %scan3A_221, %eq3A_304 : i32
      %convert_element_type3A_306 = arith.extui %eq3A_305 : i1 to i32
      %cond3A_307 = arith.constant 0 : i32
      %cond3A_308 = arith.cmpi ne, %convert_element_type3A_306, %cond3A_307 : i32
      scf.if %cond3A_308 {
        %jit3A_339 = arith.constant 0 : i32
        %broadcast_in_dim3A_340 = vector.broadcast %jit3A_339 : i32 to vector<256x1xi32>
        %select_n3A_341 = arith.select %lt3A_7, %and3A_234, %broadcast_in_dim3A_340 : vector<256x1xi1>, vector<256x1xi32>
        %swap3A_342 = arith.constant 0 : index
        %swap3A_343 = arith.constant 13 : index
        %swap3A_344 = vector.load %arg6[%swap3A_342, %swap3A_343] : memref<256x20xi32, #tpu.memory_space<vmem>>, vector<256x1xi32>
        tpu.vector_store %arg6[%swap3A_342, %swap3A_343], %select_n3A_341 {strides = array<i32>} : memref<256x20xi32, #tpu.memory_space<vmem>>, vector<256x1xi32>,
        %swap3A_345 = arith.constant 0 : index
        %swap3A_346 = arith.constant 13 : index
        %swap3A_347 = vector.load %arg10[%swap3A_345, %swap3A_346] : memref<256x128xf32, #tpu.memory_space<vmem>>, vector<256x1xf32>
        tpu.vector_store %arg10[%swap3A_345, %swap3A_346], %sub3A_240 {strides = array<i32>} : memref<256x128xf32, #tpu.memory_space<vmem>>, vector<256x1xf32>,
      } else {
      }
      %eq3A_309 = arith.constant 14 : i32
      %eq3A_310 = arith.cmpi eq, %scan3A_221, %eq3A_309 : i32
      %convert_element_type3A_311 = arith.extui %eq3A_310 : i1 to i32
      %cond3A_312 = arith.constant 0 : i32
      %cond3A_313 = arith.cmpi ne, %convert_element_type3A_311, %cond3A_312 : i32
      scf.if %cond3A_313 {
        %jit3A_339 = arith.constant 0 : i32
        %broadcast_in_dim3A_340 = vector.broadcast %jit3A_339 : i32 to vector<256x1xi32>
        %select_n3A_341 = arith.select %lt3A_7, %and3A_234, %broadcast_in_dim3A_340 : vector<256x1xi1>, vector<256x1xi32>
        %swap3A_342 = arith.constant 0 : index
        %swap3A_343 = arith.constant 14 : index
        %swap3A_344 = vector.load %arg6[%swap3A_342, %swap3A_343] : memref<256x20xi32, #tpu.memory_space<vmem>>, vector<256x1xi32>
        tpu.vector_store %arg6[%swap3A_342, %swap3A_343], %select_n3A_341 {strides = array<i32>} : memref<256x20xi32, #tpu.memory_space<vmem>>, vector<256x1xi32>,
        %swap3A_345 = arith.constant 0 : index
        %swap3A_346 = arith.constant 14 : index
        %swap3A_347 = vector.load %arg10[%swap3A_345, %swap3A_346] : memref<256x128xf32, #tpu.memory_space<vmem>>, vector<256x1xf32>
        tpu.vector_store %arg10[%swap3A_345, %swap3A_346], %sub3A_240 {strides = array<i32>} : memref<256x128xf32, #tpu.memory_space<vmem>>, vector<256x1xf32>,
      } else {
      }
      %eq3A_314 = arith.constant 15 : i32
      %eq3A_315 = arith.cmpi eq, %scan3A_221, %eq3A_314 : i32
      %convert_element_type3A_316 = arith.extui %eq3A_315 : i1 to i32
      %cond3A_317 = arith.constant 0 : i32
      %cond3A_318 = arith.cmpi ne, %convert_element_type3A_316, %cond3A_317 : i32
      scf.if %cond3A_318 {
        %jit3A_339 = arith.constant 0 : i32
        %broadcast_in_dim3A_340 = vector.broadcast %jit3A_339 : i32 to vector<256x1xi32>
        %select_n3A_341 = arith.select %lt3A_7, %and3A_234, %broadcast_in_dim3A_340 : vector<256x1xi1>, vector<256x1xi32>
        %swap3A_342 = arith.constant 0 : index
        %swap3A_343 = arith.constant 15 : index
        %swap3A_344 = vector.load %arg6[%swap3A_342, %swap3A_343] : memref<256x20xi32, #tpu.memory_space<vmem>>, vector<256x1xi32>
        tpu.vector_store %arg6[%swap3A_342, %swap3A_343], %select_n3A_341 {strides = array<i32>} : memref<256x20xi32, #tpu.memory_space<vmem>>, vector<256x1xi32>,
        %swap3A_345 = arith.constant 0 : index
        %swap3A_346 = arith.constant 15 : index
        %swap3A_347 = vector.load %arg10[%swap3A_345, %swap3A_346] : memref<256x128xf32, #tpu.memory_space<vmem>>, vector<256x1xf32>
        tpu.vector_store %arg10[%swap3A_345, %swap3A_346], %sub3A_240 {strides = array<i32>} : memref<256x128xf32, #tpu.memory_space<vmem>>, vector<256x1xf32>,
      } else {
      }
      %eq3A_319 = arith.constant 16 : i32
      %eq3A_320 = arith.cmpi eq, %scan3A_221, %eq3A_319 : i32
      %convert_element_type3A_321 = arith.extui %eq3A_320 : i1 to i32
      %cond3A_322 = arith.constant 0 : i32
      %cond3A_323 = arith.cmpi ne, %convert_element_type3A_321, %cond3A_322 : i32
      scf.if %cond3A_323 {
        %jit3A_339 = arith.constant 0 : i32
        %broadcast_in_dim3A_340 = vector.broadcast %jit3A_339 : i32 to vector<256x1xi32>
        %select_n3A_341 = arith.select %lt3A_7, %and3A_234, %broadcast_in_dim3A_340 : vector<256x1xi1>, vector<256x1xi32>
        %swap3A_342 = arith.constant 0 : index
        %swap3A_343 = arith.constant 16 : index
        %swap3A_344 = vector.load %arg6[%swap3A_342, %swap3A_343] : memref<256x20xi32, #tpu.memory_space<vmem>>, vector<256x1xi32>
        tpu.vector_store %arg6[%swap3A_342, %swap3A_343], %select_n3A_341 {strides = array<i32>} : memref<256x20xi32, #tpu.memory_space<vmem>>, vector<256x1xi32>,
        %swap3A_345 = arith.constant 0 : index
        %swap3A_346 = arith.constant 16 : index
        %swap3A_347 = vector.load %arg10[%swap3A_345, %swap3A_346] : memref<256x128xf32, #tpu.memory_space<vmem>>, vector<256x1xf32>
        tpu.vector_store %arg10[%swap3A_345, %swap3A_346], %sub3A_240 {strides = array<i32>} : memref<256x128xf32, #tpu.memory_space<vmem>>, vector<256x1xf32>,
      } else {
      }
      %eq3A_324 = arith.constant 17 : i32
      %eq3A_325 = arith.cmpi eq, %scan3A_221, %eq3A_324 : i32
      %convert_element_type3A_326 = arith.extui %eq3A_325 : i1 to i32
      %cond3A_327 = arith.constant 0 : i32
      %cond3A_328 = arith.cmpi ne, %convert_element_type3A_326, %cond3A_327 : i32
      scf.if %cond3A_328 {
        %jit3A_339 = arith.constant 0 : i32
        %broadcast_in_dim3A_340 = vector.broadcast %jit3A_339 : i32 to vector<256x1xi32>
        %select_n3A_341 = arith.select %lt3A_7, %and3A_234, %broadcast_in_dim3A_340 : vector<256x1xi1>, vector<256x1xi32>
        %swap3A_342 = arith.constant 0 : index
        %swap3A_343 = arith.constant 17 : index
        %swap3A_344 = vector.load %arg6[%swap3A_342, %swap3A_343] : memref<256x20xi32, #tpu.memory_space<vmem>>, vector<256x1xi32>
        tpu.vector_store %arg6[%swap3A_342, %swap3A_343], %select_n3A_341 {strides = array<i32>} : memref<256x20xi32, #tpu.memory_space<vmem>>, vector<256x1xi32>,
        %swap3A_345 = arith.constant 0 : index
        %swap3A_346 = arith.constant 17 : index
        %swap3A_347 = vector.load %arg10[%swap3A_345, %swap3A_346] : memref<256x128xf32, #tpu.memory_space<vmem>>, vector<256x1xf32>
        tpu.vector_store %arg10[%swap3A_345, %swap3A_346], %sub3A_240 {strides = array<i32>} : memref<256x128xf32, #tpu.memory_space<vmem>>, vector<256x1xf32>,
      } else {
      }
      %eq3A_329 = arith.constant 18 : i32
      %eq3A_330 = arith.cmpi eq, %scan3A_221, %eq3A_329 : i32
      %convert_element_type3A_331 = arith.extui %eq3A_330 : i1 to i32
      %cond3A_332 = arith.constant 0 : i32
      %cond3A_333 = arith.cmpi ne, %convert_element_type3A_331, %cond3A_332 : i32
      scf.if %cond3A_333 {
        %jit3A_339 = arith.constant 0 : i32
        %broadcast_in_dim3A_340 = vector.broadcast %jit3A_339 : i32 to vector<256x1xi32>
        %select_n3A_341 = arith.select %lt3A_7, %and3A_234, %broadcast_in_dim3A_340 : vector<256x1xi1>, vector<256x1xi32>
        %swap3A_342 = arith.constant 0 : index
        %swap3A_343 = arith.constant 18 : index
        %swap3A_344 = vector.load %arg6[%swap3A_342, %swap3A_343] : memref<256x20xi32, #tpu.memory_space<vmem>>, vector<256x1xi32>
        tpu.vector_store %arg6[%swap3A_342, %swap3A_343], %select_n3A_341 {strides = array<i32>} : memref<256x20xi32, #tpu.memory_space<vmem>>, vector<256x1xi32>,
        %swap3A_345 = arith.constant 0 : index
        %swap3A_346 = arith.constant 18 : index
        %swap3A_347 = vector.load %arg10[%swap3A_345, %swap3A_346] : memref<256x128xf32, #tpu.memory_space<vmem>>, vector<256x1xf32>
        tpu.vector_store %arg10[%swap3A_345, %swap3A_346], %sub3A_240 {strides = array<i32>} : memref<256x128xf32, #tpu.memory_space<vmem>>, vector<256x1xf32>,
      } else {
      }
      %eq3A_334 = arith.constant 19 : i32
      %eq3A_335 = arith.cmpi eq, %scan3A_221, %eq3A_334 : i32
      %convert_element_type3A_336 = arith.extui %eq3A_335 : i1 to i32
      %cond3A_337 = arith.constant 0 : i32
      %cond3A_338 = arith.cmpi ne, %convert_element_type3A_336, %cond3A_337 : i32
      scf.if %cond3A_338 {
        %jit3A_339 = arith.constant 0 : i32
        %broadcast_in_dim3A_340 = vector.broadcast %jit3A_339 : i32 to vector<256x1xi32>
        %select_n3A_341 = arith.select %lt3A_7, %and3A_234, %broadcast_in_dim3A_340 : vector<256x1xi1>, vector<256x1xi32>
        %swap3A_342 = arith.constant 0 : index
        %swap3A_343 = arith.constant 19 : index
        %swap3A_344 = vector.load %arg6[%swap3A_342, %swap3A_343] : memref<256x20xi32, #tpu.memory_space<vmem>>, vector<256x1xi32>
        tpu.vector_store %arg6[%swap3A_342, %swap3A_343], %select_n3A_341 {strides = array<i32>} : memref<256x20xi32, #tpu.memory_space<vmem>>, vector<256x1xi32>,
        %swap3A_345 = arith.constant 0 : index
        %swap3A_346 = arith.constant 19 : index
        %swap3A_347 = vector.load %arg10[%swap3A_345, %swap3A_346] : memref<256x128xf32, #tpu.memory_space<vmem>>, vector<256x1xf32>
        tpu.vector_store %arg10[%swap3A_345, %swap3A_346], %sub3A_240 {strides = array<i32>} : memref<256x128xf32, #tpu.memory_space<vmem>>, vector<256x1xf32>,
      } else {
      }
      scf.yield %and3A_234 : vector<256x1xi32>
    }
    %scan3A_19 = arith.constant 20 : i32
    %get3A_20 = arith.constant 0 : index
    %get3A_21 = arith.constant 0 : index
    %get3A_22 = vector.load %arg10[%get3A_20, %get3A_21] : memref<256x128xf32, #tpu.memory_space<vmem>>, vector<256x20xf32>
    %get3A_23 = arith.constant 0 : index
    %get3A_24 = arith.constant 0 : index
    %get3A_25 = vector.load %arg4[%get3A_23, %get3A_24] : memref<256x1xf32, #tpu.memory_space<vmem>>, vector<256x1xf32>
    %add3A_26 = vector.broadcast %get3A_25 : vector<256x1xf32> to vector<256x20xf32>
    %add3A_27 = arith.addf %add3A_26, %get3A_22 : vector<256x20xf32>
    %ge3A = arith.constant 0.000000e+00 : f32
    %ge3A_28 = vector.broadcast %ge3A : f32 to vector<256x20xf32>
    %ge3A_29 = arith.cmpf oge, %add3A_27, %ge3A_28 : vector<256x20xf32>
    %mul3A_30 = arith.constant 2.000000e-01 : f32
    %mul3A_31 = vector.broadcast %mul3A_30 : f32 to vector<256x20xf32>
    %mul3A_32 = arith.mulf %mul3A_31, %add3A_27 : vector<256x20xf32>
    %select_n3A = arith.select %ge3A_29, %add3A_27, %mul3A_32 : vector<256x20xi1>, vector<256x20xf32>
    %exp3A = math.exp %select_n3A : vector<256x20xf32>
    %jit3A = arith.constant 0.000000e+00 : f32
    %broadcast_in_dim3A_33 = vector.shape_cast %lt3A_7 : vector<256x1xi1> to vector<256x1xi1>
    %broadcast_in_dim3A_34 = vector.broadcast %broadcast_in_dim3A_33 : vector<256x1xi1> to vector<256x20xi1>
    %broadcast_in_dim3A_35 = vector.broadcast %jit3A : f32 to vector<256x20xf32>
    %select_n3A_36 = arith.select %broadcast_in_dim3A_34, %exp3A, %broadcast_in_dim3A_35 : vector<256x20xi1>, vector<256x20xf32>
    %swap3A = arith.constant 0 : index
    %swap3A_37 = arith.constant 0 : index
    %swap3A_38 = vector.load %arg7[%swap3A, %swap3A_37] : memref<256x20xf32, #tpu.memory_space<vmem>>, vector<256x20xf32>
    tpu.vector_store %arg7[%swap3A, %swap3A_37], %select_n3A_36 {strides = array<i32>} : memref<256x20xf32, #tpu.memory_space<vmem>>, vector<256x20xf32>,
    %get3A_39 = arith.constant 0 : index
    %get3A_40 = arith.constant 0 : index
    %get3A_41 = vector.load %arg5[%get3A_39, %get3A_40] : memref<256x128xf32, #tpu.memory_space<vmem>>, vector<256x128xf32>
    %slice3A = vector.extract_strided_slice %select_n3A_36 {offsets = [0, 0], sizes = [256, 1], strides = [1, 1]} : vector<256x20xf32> to vector<256x1xf32>
    %mul3A_42 = vector.broadcast %slice3A : vector<256x1xf32> to vector<256x128xf32>
    %mul3A_43 = arith.mulf %mul3A_42, %get3A_41 : vector<256x128xf32>
    %swap3A_44 = arith.constant 0 : index
    %swap3A_45 = arith.constant 0 : index
    %swap3A_46 = arith.constant 0 : index
    %swap3A_47 = vector.load %arg8[%swap3A_44, %swap3A_45, %swap3A_46] : memref<20x256x128xf32, #tpu.memory_space<vmem>>, vector<1x256x128xf32>
    %swap3A_48 = vector.shape_cast %swap3A_47 : vector<1x256x128xf32> to vector<256x128xf32>
    %swap3A_49 = vector.shape_cast %mul3A_43 : vector<256x128xf32> to vector<1x256x128xf32>
    tpu.vector_store %arg8[%swap3A_44, %swap3A_45, %swap3A_46], %swap3A_49 {strides = array<i32>} : memref<20x256x128xf32, #tpu.memory_space<vmem>>, vector<1x256x128xf32>,
    %slice3A_50 = vector.extract_strided_slice %select_n3A_36 {offsets = [0, 1], sizes = [256, 1], strides = [1, 1]} : vector<256x20xf32> to vector<256x1xf32>
    %mul3A_51 = vector.broadcast %slice3A_50 : vector<256x1xf32> to vector<256x128xf32>
    %mul3A_52 = arith.mulf %mul3A_51, %get3A_41 : vector<256x128xf32>
    %swap3A_53 = arith.constant 1 : index
    %swap3A_54 = arith.constant 0 : index
    %swap3A_55 = arith.constant 0 : index
    %swap3A_56 = vector.load %arg8[%swap3A_53, %swap3A_54, %swap3A_55] : memref<20x256x128xf32, #tpu.memory_space<vmem>>, vector<1x256x128xf32>
    %swap3A_57 = vector.shape_cast %swap3A_56 : vector<1x256x128xf32> to vector<256x128xf32>
    %swap3A_58 = vector.shape_cast %mul3A_52 : vector<256x128xf32> to vector<1x256x128xf32>
    tpu.vector_store %arg8[%swap3A_53, %swap3A_54, %swap3A_55], %swap3A_58 {strides = array<i32>} : memref<20x256x128xf32, #tpu.memory_space<vmem>>, vector<1x256x128xf32>,
    %slice3A_59 = vector.extract_strided_slice %select_n3A_36 {offsets = [0, 2], sizes = [256, 1], strides = [1, 1]} : vector<256x20xf32> to vector<256x1xf32>
    %mul3A_60 = vector.broadcast %slice3A_59 : vector<256x1xf32> to vector<256x128xf32>
    %mul3A_61 = arith.mulf %mul3A_60, %get3A_41 : vector<256x128xf32>
    %swap3A_62 = arith.constant 2 : index
    %swap3A_63 = arith.constant 0 : index
    %swap3A_64 = arith.constant 0 : index
    %swap3A_65 = vector.load %arg8[%swap3A_62, %swap3A_63, %swap3A_64] : memref<20x256x128xf32, #tpu.memory_space<vmem>>, vector<1x256x128xf32>
    %swap3A_66 = vector.shape_cast %swap3A_65 : vector<1x256x128xf32> to vector<256x128xf32>
    %swap3A_67 = vector.shape_cast %mul3A_61 : vector<256x128xf32> to vector<1x256x128xf32>
    tpu.vector_store %arg8[%swap3A_62, %swap3A_63, %swap3A_64], %swap3A_67 {strides = array<i32>} : memref<20x256x128xf32, #tpu.memory_space<vmem>>, vector<1x256x128xf32>,
    %slice3A_68 = vector.extract_strided_slice %select_n3A_36 {offsets = [0, 3], sizes = [256, 1], strides = [1, 1]} : vector<256x20xf32> to vector<256x1xf32>
    %mul3A_69 = vector.broadcast %slice3A_68 : vector<256x1xf32> to vector<256x128xf32>
    %mul3A_70 = arith.mulf %mul3A_69, %get3A_41 : vector<256x128xf32>
    %swap3A_71 = arith.constant 3 : index
    %swap3A_72 = arith.constant 0 : index
    %swap3A_73 = arith.constant 0 : index
    %swap3A_74 = vector.load %arg8[%swap3A_71, %swap3A_72, %swap3A_73] : memref<20x256x128xf32, #tpu.memory_space<vmem>>, vector<1x256x128xf32>
    %swap3A_75 = vector.shape_cast %swap3A_74 : vector<1x256x128xf32> to vector<256x128xf32>
    %swap3A_76 = vector.shape_cast %mul3A_70 : vector<256x128xf32> to vector<1x256x128xf32>
    tpu.vector_store %arg8[%swap3A_71, %swap3A_72, %swap3A_73], %swap3A_76 {strides = array<i32>} : memref<20x256x128xf32, #tpu.memory_space<vmem>>, vector<1x256x128xf32>,
    %slice3A_77 = vector.extract_strided_slice %select_n3A_36 {offsets = [0, 4], sizes = [256, 1], strides = [1, 1]} : vector<256x20xf32> to vector<256x1xf32>
    %mul3A_78 = vector.broadcast %slice3A_77 : vector<256x1xf32> to vector<256x128xf32>
    %mul3A_79 = arith.mulf %mul3A_78, %get3A_41 : vector<256x128xf32>
    %swap3A_80 = arith.constant 4 : index
    %swap3A_81 = arith.constant 0 : index
    %swap3A_82 = arith.constant 0 : index
    %swap3A_83 = vector.load %arg8[%swap3A_80, %swap3A_81, %swap3A_82] : memref<20x256x128xf32, #tpu.memory_space<vmem>>, vector<1x256x128xf32>
    %swap3A_84 = vector.shape_cast %swap3A_83 : vector<1x256x128xf32> to vector<256x128xf32>
    %swap3A_85 = vector.shape_cast %mul3A_79 : vector<256x128xf32> to vector<1x256x128xf32>
    tpu.vector_store %arg8[%swap3A_80, %swap3A_81, %swap3A_82], %swap3A_85 {strides = array<i32>} : memref<20x256x128xf32, #tpu.memory_space<vmem>>, vector<1x256x128xf32>,
    %slice3A_86 = vector.extract_strided_slice %select_n3A_36 {offsets = [0, 5], sizes = [256, 1], strides = [1, 1]} : vector<256x20xf32> to vector<256x1xf32>
    %mul3A_87 = vector.broadcast %slice3A_86 : vector<256x1xf32> to vector<256x128xf32>
    %mul3A_88 = arith.mulf %mul3A_87, %get3A_41 : vector<256x128xf32>
    %swap3A_89 = arith.constant 5 : index
    %swap3A_90 = arith.constant 0 : index
    %swap3A_91 = arith.constant 0 : index
    %swap3A_92 = vector.load %arg8[%swap3A_89, %swap3A_90, %swap3A_91] : memref<20x256x128xf32, #tpu.memory_space<vmem>>, vector<1x256x128xf32>
    %swap3A_93 = vector.shape_cast %swap3A_92 : vector<1x256x128xf32> to vector<256x128xf32>
    %swap3A_94 = vector.shape_cast %mul3A_88 : vector<256x128xf32> to vector<1x256x128xf32>
    tpu.vector_store %arg8[%swap3A_89, %swap3A_90, %swap3A_91], %swap3A_94 {strides = array<i32>} : memref<20x256x128xf32, #tpu.memory_space<vmem>>, vector<1x256x128xf32>,
    %slice3A_95 = vector.extract_strided_slice %select_n3A_36 {offsets = [0, 6], sizes = [256, 1], strides = [1, 1]} : vector<256x20xf32> to vector<256x1xf32>
    %mul3A_96 = vector.broadcast %slice3A_95 : vector<256x1xf32> to vector<256x128xf32>
    %mul3A_97 = arith.mulf %mul3A_96, %get3A_41 : vector<256x128xf32>
    %swap3A_98 = arith.constant 6 : index
    %swap3A_99 = arith.constant 0 : index
    %swap3A_100 = arith.constant 0 : index
    %swap3A_101 = vector.load %arg8[%swap3A_98, %swap3A_99, %swap3A_100] : memref<20x256x128xf32, #tpu.memory_space<vmem>>, vector<1x256x128xf32>
    %swap3A_102 = vector.shape_cast %swap3A_101 : vector<1x256x128xf32> to vector<256x128xf32>
    %swap3A_103 = vector.shape_cast %mul3A_97 : vector<256x128xf32> to vector<1x256x128xf32>
    tpu.vector_store %arg8[%swap3A_98, %swap3A_99, %swap3A_100], %swap3A_103 {strides = array<i32>} : memref<20x256x128xf32, #tpu.memory_space<vmem>>, vector<1x256x128xf32>,
    %slice3A_104 = vector.extract_strided_slice %select_n3A_36 {offsets = [0, 7], sizes = [256, 1], strides = [1, 1]} : vector<256x20xf32> to vector<256x1xf32>
    %mul3A_105 = vector.broadcast %slice3A_104 : vector<256x1xf32> to vector<256x128xf32>
    %mul3A_106 = arith.mulf %mul3A_105, %get3A_41 : vector<256x128xf32>
    %swap3A_107 = arith.constant 7 : index
    %swap3A_108 = arith.constant 0 : index
    %swap3A_109 = arith.constant 0 : index
    %swap3A_110 = vector.load %arg8[%swap3A_107, %swap3A_108, %swap3A_109] : memref<20x256x128xf32, #tpu.memory_space<vmem>>, vector<1x256x128xf32>
    %swap3A_111 = vector.shape_cast %swap3A_110 : vector<1x256x128xf32> to vector<256x128xf32>
    %swap3A_112 = vector.shape_cast %mul3A_106 : vector<256x128xf32> to vector<1x256x128xf32>
    tpu.vector_store %arg8[%swap3A_107, %swap3A_108, %swap3A_109], %swap3A_112 {strides = array<i32>} : memref<20x256x128xf32, #tpu.memory_space<vmem>>, vector<1x256x128xf32>,
    %slice3A_113 = vector.extract_strided_slice %select_n3A_36 {offsets = [0, 8], sizes = [256, 1], strides = [1, 1]} : vector<256x20xf32> to vector<256x1xf32>
    %mul3A_114 = vector.broadcast %slice3A_113 : vector<256x1xf32> to vector<256x128xf32>
    %mul3A_115 = arith.mulf %mul3A_114, %get3A_41 : vector<256x128xf32>
    %swap3A_116 = arith.constant 8 : index
    %swap3A_117 = arith.constant 0 : index
    %swap3A_118 = arith.constant 0 : index
    %swap3A_119 = vector.load %arg8[%swap3A_116, %swap3A_117, %swap3A_118] : memref<20x256x128xf32, #tpu.memory_space<vmem>>, vector<1x256x128xf32>
    %swap3A_120 = vector.shape_cast %swap3A_119 : vector<1x256x128xf32> to vector<256x128xf32>
    %swap3A_121 = vector.shape_cast %mul3A_115 : vector<256x128xf32> to vector<1x256x128xf32>
    tpu.vector_store %arg8[%swap3A_116, %swap3A_117, %swap3A_118], %swap3A_121 {strides = array<i32>} : memref<20x256x128xf32, #tpu.memory_space<vmem>>, vector<1x256x128xf32>,
    %slice3A_122 = vector.extract_strided_slice %select_n3A_36 {offsets = [0, 9], sizes = [256, 1], strides = [1, 1]} : vector<256x20xf32> to vector<256x1xf32>
    %mul3A_123 = vector.broadcast %slice3A_122 : vector<256x1xf32> to vector<256x128xf32>
    %mul3A_124 = arith.mulf %mul3A_123, %get3A_41 : vector<256x128xf32>
    %swap3A_125 = arith.constant 9 : index
    %swap3A_126 = arith.constant 0 : index
    %swap3A_127 = arith.constant 0 : index
    %swap3A_128 = vector.load %arg8[%swap3A_125, %swap3A_126, %swap3A_127] : memref<20x256x128xf32, #tpu.memory_space<vmem>>, vector<1x256x128xf32>
    %swap3A_129 = vector.shape_cast %swap3A_128 : vector<1x256x128xf32> to vector<256x128xf32>
    %swap3A_130 = vector.shape_cast %mul3A_124 : vector<256x128xf32> to vector<1x256x128xf32>
    tpu.vector_store %arg8[%swap3A_125, %swap3A_126, %swap3A_127], %swap3A_130 {strides = array<i32>} : memref<20x256x128xf32, #tpu.memory_space<vmem>>, vector<1x256x128xf32>,
    %slice3A_131 = vector.extract_strided_slice %select_n3A_36 {offsets = [0, 10], sizes = [256, 1], strides = [1, 1]} : vector<256x20xf32> to vector<256x1xf32>
    %mul3A_132 = vector.broadcast %slice3A_131 : vector<256x1xf32> to vector<256x128xf32>
    %mul3A_133 = arith.mulf %mul3A_132, %get3A_41 : vector<256x128xf32>
    %swap3A_134 = arith.constant 10 : index
    %swap3A_135 = arith.constant 0 : index
    %swap3A_136 = arith.constant 0 : index
    %swap3A_137 = vector.load %arg8[%swap3A_134, %swap3A_135, %swap3A_136] : memref<20x256x128xf32, #tpu.memory_space<vmem>>, vector<1x256x128xf32>
    %swap3A_138 = vector.shape_cast %swap3A_137 : vector<1x256x128xf32> to vector<256x128xf32>
    %swap3A_139 = vector.shape_cast %mul3A_133 : vector<256x128xf32> to vector<1x256x128xf32>
    tpu.vector_store %arg8[%swap3A_134, %swap3A_135, %swap3A_136], %swap3A_139 {strides = array<i32>} : memref<20x256x128xf32, #tpu.memory_space<vmem>>, vector<1x256x128xf32>,
    %slice3A_140 = vector.extract_strided_slice %select_n3A_36 {offsets = [0, 11], sizes = [256, 1], strides = [1, 1]} : vector<256x20xf32> to vector<256x1xf32>
    %mul3A_141 = vector.broadcast %slice3A_140 : vector<256x1xf32> to vector<256x128xf32>
    %mul3A_142 = arith.mulf %mul3A_141, %get3A_41 : vector<256x128xf32>
    %swap3A_143 = arith.constant 11 : index
    %swap3A_144 = arith.constant 0 : index
    %swap3A_145 = arith.constant 0 : index
    %swap3A_146 = vector.load %arg8[%swap3A_143, %swap3A_144, %swap3A_145] : memref<20x256x128xf32, #tpu.memory_space<vmem>>, vector<1x256x128xf32>
    %swap3A_147 = vector.shape_cast %swap3A_146 : vector<1x256x128xf32> to vector<256x128xf32>
    %swap3A_148 = vector.shape_cast %mul3A_142 : vector<256x128xf32> to vector<1x256x128xf32>
    tpu.vector_store %arg8[%swap3A_143, %swap3A_144, %swap3A_145], %swap3A_148 {strides = array<i32>} : memref<20x256x128xf32, #tpu.memory_space<vmem>>, vector<1x256x128xf32>,
    %slice3A_149 = vector.extract_strided_slice %select_n3A_36 {offsets = [0, 12], sizes = [256, 1], strides = [1, 1]} : vector<256x20xf32> to vector<256x1xf32>
    %mul3A_150 = vector.broadcast %slice3A_149 : vector<256x1xf32> to vector<256x128xf32>
    %mul3A_151 = arith.mulf %mul3A_150, %get3A_41 : vector<256x128xf32>
    %swap3A_152 = arith.constant 12 : index
    %swap3A_153 = arith.constant 0 : index
    %swap3A_154 = arith.constant 0 : index
    %swap3A_155 = vector.load %arg8[%swap3A_152, %swap3A_153, %swap3A_154] : memref<20x256x128xf32, #tpu.memory_space<vmem>>, vector<1x256x128xf32>
    %swap3A_156 = vector.shape_cast %swap3A_155 : vector<1x256x128xf32> to vector<256x128xf32>
    %swap3A_157 = vector.shape_cast %mul3A_151 : vector<256x128xf32> to vector<1x256x128xf32>
    tpu.vector_store %arg8[%swap3A_152, %swap3A_153, %swap3A_154], %swap3A_157 {strides = array<i32>} : memref<20x256x128xf32, #tpu.memory_space<vmem>>, vector<1x256x128xf32>,
    %slice3A_158 = vector.extract_strided_slice %select_n3A_36 {offsets = [0, 13], sizes = [256, 1], strides = [1, 1]} : vector<256x20xf32> to vector<256x1xf32>
    %mul3A_159 = vector.broadcast %slice3A_158 : vector<256x1xf32> to vector<256x128xf32>
    %mul3A_160 = arith.mulf %mul3A_159, %get3A_41 : vector<256x128xf32>
    %swap3A_161 = arith.constant 13 : index
    %swap3A_162 = arith.constant 0 : index
    %swap3A_163 = arith.constant 0 : index
    %swap3A_164 = vector.load %arg8[%swap3A_161, %swap3A_162, %swap3A_163] : memref<20x256x128xf32, #tpu.memory_space<vmem>>, vector<1x256x128xf32>
    %swap3A_165 = vector.shape_cast %swap3A_164 : vector<1x256x128xf32> to vector<256x128xf32>
    %swap3A_166 = vector.shape_cast %mul3A_160 : vector<256x128xf32> to vector<1x256x128xf32>
    tpu.vector_store %arg8[%swap3A_161, %swap3A_162, %swap3A_163], %swap3A_166 {strides = array<i32>} : memref<20x256x128xf32, #tpu.memory_space<vmem>>, vector<1x256x128xf32>,
    %slice3A_167 = vector.extract_strided_slice %select_n3A_36 {offsets = [0, 14], sizes = [256, 1], strides = [1, 1]} : vector<256x20xf32> to vector<256x1xf32>
    %mul3A_168 = vector.broadcast %slice3A_167 : vector<256x1xf32> to vector<256x128xf32>
    %mul3A_169 = arith.mulf %mul3A_168, %get3A_41 : vector<256x128xf32>
    %swap3A_170 = arith.constant 14 : index
    %swap3A_171 = arith.constant 0 : index
    %swap3A_172 = arith.constant 0 : index
    %swap3A_173 = vector.load %arg8[%swap3A_170, %swap3A_171, %swap3A_172] : memref<20x256x128xf32, #tpu.memory_space<vmem>>, vector<1x256x128xf32>
    %swap3A_174 = vector.shape_cast %swap3A_173 : vector<1x256x128xf32> to vector<256x128xf32>
    %swap3A_175 = vector.shape_cast %mul3A_169 : vector<256x128xf32> to vector<1x256x128xf32>
    tpu.vector_store %arg8[%swap3A_170, %swap3A_171, %swap3A_172], %swap3A_175 {strides = array<i32>} : memref<20x256x128xf32, #tpu.memory_space<vmem>>, vector<1x256x128xf32>,
    %slice3A_176 = vector.extract_strided_slice %select_n3A_36 {offsets = [0, 15], sizes = [256, 1], strides = [1, 1]} : vector<256x20xf32> to vector<256x1xf32>
    %mul3A_177 = vector.broadcast %slice3A_176 : vector<256x1xf32> to vector<256x128xf32>
    %mul3A_178 = arith.mulf %mul3A_177, %get3A_41 : vector<256x128xf32>
    %swap3A_179 = arith.constant 15 : index
    %swap3A_180 = arith.constant 0 : index
    %swap3A_181 = arith.constant 0 : index
    %swap3A_182 = vector.load %arg8[%swap3A_179, %swap3A_180, %swap3A_181] : memref<20x256x128xf32, #tpu.memory_space<vmem>>, vector<1x256x128xf32>
    %swap3A_183 = vector.shape_cast %swap3A_182 : vector<1x256x128xf32> to vector<256x128xf32>
    %swap3A_184 = vector.shape_cast %mul3A_178 : vector<256x128xf32> to vector<1x256x128xf32>
    tpu.vector_store %arg8[%swap3A_179, %swap3A_180, %swap3A_181], %swap3A_184 {strides = array<i32>} : memref<20x256x128xf32, #tpu.memory_space<vmem>>, vector<1x256x128xf32>,
    %slice3A_185 = vector.extract_strided_slice %select_n3A_36 {offsets = [0, 16], sizes = [256, 1], strides = [1, 1]} : vector<256x20xf32> to vector<256x1xf32>
    %mul3A_186 = vector.broadcast %slice3A_185 : vector<256x1xf32> to vector<256x128xf32>
    %mul3A_187 = arith.mulf %mul3A_186, %get3A_41 : vector<256x128xf32>
    %swap3A_188 = arith.constant 16 : index
    %swap3A_189 = arith.constant 0 : index
    %swap3A_190 = arith.constant 0 : index
    %swap3A_191 = vector.load %arg8[%swap3A_188, %swap3A_189, %swap3A_190] : memref<20x256x128xf32, #tpu.memory_space<vmem>>, vector<1x256x128xf32>
    %swap3A_192 = vector.shape_cast %swap3A_191 : vector<1x256x128xf32> to vector<256x128xf32>
    %swap3A_193 = vector.shape_cast %mul3A_187 : vector<256x128xf32> to vector<1x256x128xf32>
    tpu.vector_store %arg8[%swap3A_188, %swap3A_189, %swap3A_190], %swap3A_193 {strides = array<i32>} : memref<20x256x128xf32, #tpu.memory_space<vmem>>, vector<1x256x128xf32>,
    %slice3A_194 = vector.extract_strided_slice %select_n3A_36 {offsets = [0, 17], sizes = [256, 1], strides = [1, 1]} : vector<256x20xf32> to vector<256x1xf32>
    %mul3A_195 = vector.broadcast %slice3A_194 : vector<256x1xf32> to vector<256x128xf32>
    %mul3A_196 = arith.mulf %mul3A_195, %get3A_41 : vector<256x128xf32>
    %swap3A_197 = arith.constant 17 : index
    %swap3A_198 = arith.constant 0 : index
    %swap3A_199 = arith.constant 0 : index
    %swap3A_200 = vector.load %arg8[%swap3A_197, %swap3A_198, %swap3A_199] : memref<20x256x128xf32, #tpu.memory_space<vmem>>, vector<1x256x128xf32>
    %swap3A_201 = vector.shape_cast %swap3A_200 : vector<1x256x128xf32> to vector<256x128xf32>
    %swap3A_202 = vector.shape_cast %mul3A_196 : vector<256x128xf32> to vector<1x256x128xf32>
    tpu.vector_store %arg8[%swap3A_197, %swap3A_198, %swap3A_199], %swap3A_202 {strides = array<i32>} : memref<20x256x128xf32, #tpu.memory_space<vmem>>, vector<1x256x128xf32>,
    %slice3A_203 = vector.extract_strided_slice %select_n3A_36 {offsets = [0, 18], sizes = [256, 1], strides = [1, 1]} : vector<256x20xf32> to vector<256x1xf32>
    %mul3A_204 = vector.broadcast %slice3A_203 : vector<256x1xf32> to vector<256x128xf32>
    %mul3A_205 = arith.mulf %mul3A_204, %get3A_41 : vector<256x128xf32>
    %swap3A_206 = arith.constant 18 : index
    %swap3A_207 = arith.constant 0 : index
    %swap3A_208 = arith.constant 0 : index
    %swap3A_209 = vector.load %arg8[%swap3A_206, %swap3A_207, %swap3A_208] : memref<20x256x128xf32, #tpu.memory_space<vmem>>, vector<1x256x128xf32>
    %swap3A_210 = vector.shape_cast %swap3A_209 : vector<1x256x128xf32> to vector<256x128xf32>
    %swap3A_211 = vector.shape_cast %mul3A_205 : vector<256x128xf32> to vector<1x256x128xf32>
    tpu.vector_store %arg8[%swap3A_206, %swap3A_207, %swap3A_208], %swap3A_211 {strides = array<i32>} : memref<20x256x128xf32, #tpu.memory_space<vmem>>, vector<1x256x128xf32>,
    %slice3A_212 = vector.extract_strided_slice %select_n3A_36 {offsets = [0, 19], sizes = [256, 1], strides = [1, 1]} : vector<256x20xf32> to vector<256x1xf32>
    %mul3A_213 = vector.broadcast %slice3A_212 : vector<256x1xf32> to vector<256x128xf32>
    %mul3A_214 = arith.mulf %mul3A_213, %get3A_41 : vector<256x128xf32>
    %swap3A_215 = arith.constant 19 : index
    %swap3A_216 = arith.constant 0 : index
    %swap3A_217 = arith.constant 0 : index
    %swap3A_218 = vector.load %arg8[%swap3A_215, %swap3A_216, %swap3A_217] : memref<20x256x128xf32, #tpu.memory_space<vmem>>, vector<1x256x128xf32>
    %swap3A_219 = vector.shape_cast %swap3A_218 : vector<1x256x128xf32> to vector<256x128xf32>
    %swap3A_220 = vector.shape_cast %mul3A_214 : vector<256x128xf32> to vector<1x256x128xf32>
    tpu.vector_store %arg8[%swap3A_215, %swap3A_216, %swap3A_217], %swap3A_220 {strides = array<i32>} : memref<20x256x128xf32, #tpu.memory_space<vmem>>, vector<1x256x128xf32>,
    return
  }
  func.func @transform_0(%arg0: i32) -> (i32, i32) {
    %c0_i32 = arith.constant 0 : i32
    %c0_i32_0 = arith.constant 0 : i32
    return %arg0, %c0_i32 : i32, i32
  }
  func.func @transform_1(%arg0: i32) -> (i32, i32) {
    %c0_i32 = arith.constant 0 : i32
    %c0_i32_0 = arith.constant 0 : i32
    %c0_i32_1 = arith.constant 0 : i32
    return %c0_i32, %c0_i32_0 : i32, i32
  }
  func.func @transform_2(%arg0: i32) -> (i32, i32) {
    %c0_i32 = arith.constant 0 : i32
    %c0_i32_0 = arith.constant 0 : i32
    %c0_i32_1 = arith.constant 0 : i32
    return %c0_i32, %c0_i32_0 : i32, i32
  }
  func.func @transform_3(%arg0: i32) -> (i32, i32) {
    %c0_i32 = arith.constant 0 : i32
    %c0_i32_0 = arith.constant 0 : i32
    return %arg0, %c0_i32 : i32, i32
  }
  func.func @transform_4(%arg0: i32) -> (i32, i32) {
    %c0_i32 = arith.constant 0 : i32
    %c0_i32_0 = arith.constant 0 : i32
    return %arg0, %c0_i32 : i32, i32
  }
  func.func @transform_5(%arg0: i32) -> (i32, i32) {
    %c0_i32 = arith.constant 0 : i32
    %c0_i32_0 = arith.constant 0 : i32
    return %arg0, %c0_i32 : i32, i32
  }
  func.func @transform_6(%arg0: i32) -> (i32, i32) {
    %c0_i32 = arith.constant 0 : i32
    %c0_i32_0 = arith.constant 0 : i32
    return %arg0, %c0_i32 : i32, i32
  }
  func.func @transform_7(%arg0: i32) -> (i32, i32, i32) {
    %c0_i32 = arith.constant 0 : i32
    %c0_i32_0 = arith.constant 0 : i32
    %c0_i32_1 = arith.constant 0 : i32
    return %c0_i32, %arg0, %c0_i32_0 : i32, i32, i32
  }
}

module attributes {stable_mosaic.version = 14 : i64} {
  func.func @_fin_kernel(%arg0: i32, %arg1: memref<2x512x128xf32, #tpu.memory_space<vmem>>, %arg2: memref<32x512xf32, #tpu.memory_space<vmem>>, %arg3: memref<1x128xf32, #tpu.memory_space<vmem>>, %arg4: memref<512x128xf32, #tpu.memory_space<vmem>>) attributes {dimension_semantics = [#tpu.dimension_semantics<arbitrary>], iteration_bounds = array<i64: 20>, scalar_prefetch = 0 : i64, scratch_operands = 0 : i64, tpu.core_type = #tpu.core_type<tc>, window_params = [{transform_indices = @transform_0, window_bounds = array<i64: 2, 512, 128>}, {transform_indices = @transform_1, window_bounds = array<i64: 32, 512>}, {pipeline_mode = #tpu.pipeline_mode<synchronous>, transform_indices = @transform_2, window_bounds = array<i64: 1, 128>}, {transform_indices = @transform_3, window_bounds = array<i64: 512, 128>}]} {
    %get3A = arith.constant 0 : index
    %get3A_0 = arith.constant 0 : index
    %get3A_1 = arith.constant 0 : index
    %get3A_2 = vector.load %arg1[%get3A, %get3A_0, %get3A_1] : memref<2x512x128xf32, #tpu.memory_space<vmem>>, vector<1x512x128xf32>
    %get3A_3 = vector.shape_cast %get3A_2 : vector<1x512x128xf32> to vector<512x128xf32>
    %get3A_4 = arith.constant 1 : index
    %get3A_5 = arith.constant 0 : index
    %get3A_6 = arith.constant 0 : index
    %get3A_7 = vector.load %arg1[%get3A_4, %get3A_5, %get3A_6] : memref<2x512x128xf32, #tpu.memory_space<vmem>>, vector<1x512x128xf32>
    %get3A_8 = vector.shape_cast %get3A_7 : vector<1x512x128xf32> to vector<512x128xf32>
    %add3A = arith.addf %get3A_3, %get3A_8 : vector<512x128xf32>
    %get3A_9 = arith.constant 0 : index
    %get3A_10 = arith.constant 0 : index
    %get3A_11 = vector.load %arg2[%get3A_9, %get3A_10] : memref<32x512xf32, #tpu.memory_space<vmem>>, vector<32x512xf32>
    %broadcast_in_dim3A = arith.constant 1.000000e+00 : f32
    %broadcast_in_dim3A_12 = vector.broadcast %broadcast_in_dim3A : f32 to vector<32x1xf32>
    %dot_general3A = arith.constant dense<0.000000e+00> : vector<512x1xf32>
    %dot_general3A_13 = tpu.matmul %get3A_11, %broadcast_in_dim3A_12, %dot_general3A {dimension_numbers = #tpu.dot_dimension_numbers<[0], [0], [1], [1], [0, 1, 1, 1], [], []>, transpose_lhs_hint = false} : vector<32x512xf32>, vector<32x1xf32>, vector<512x1xf32> -> vector<512x1xf32>
    %add3A_14 = arith.constant 1.000000e-16 : f32
    %add3A_15 = vector.broadcast %add3A_14 : f32 to vector<512x1xf32>
    %add3A_16 = arith.addf %dot_general3A_13, %add3A_15 : vector<512x1xf32>
    %div3A = vector.broadcast %add3A_16 : vector<512x1xf32> to vector<512x128xf32>
    %div3A_17 = arith.divf %add3A, %div3A : vector<512x128xf32>
    %get3A_18 = arith.constant 0 : index
    %get3A_19 = arith.constant 0 : index
    %get3A_20 = vector.load %arg3[%get3A_18, %get3A_19] : memref<1x128xf32, #tpu.memory_space<vmem>>, vector<1x128xf32>
    %add3A_21 = vector.broadcast %get3A_20 : vector<1x128xf32> to vector<512x128xf32>
    %add3A_22 = arith.addf %div3A_17, %add3A_21 : vector<512x128xf32>
    %swap3A = arith.constant 0 : index
    %swap3A_23 = arith.constant 0 : index
    %swap3A_24 = vector.load %arg4[%swap3A, %swap3A_23] : memref<512x128xf32, #tpu.memory_space<vmem>>, vector<512x128xf32>
    tpu.vector_store %arg4[%swap3A, %swap3A_23], %add3A_22 {strides = array<i32>} : memref<512x128xf32, #tpu.memory_space<vmem>>, vector<512x128xf32>,
    return
  }
  func.func @transform_0(%arg0: i32) -> (i32, i32, i32) {
    %c0_i32 = arith.constant 0 : i32
    %c0_i32_0 = arith.constant 0 : i32
    %c0_i32_1 = arith.constant 0 : i32
    return %c0_i32, %arg0, %c0_i32_0 : i32, i32, i32
  }
  func.func @transform_1(%arg0: i32) -> (i32, i32) {
    %c0_i32 = arith.constant 0 : i32
    %c0_i32_0 = arith.constant 0 : i32
    return %c0_i32, %arg0 : i32, i32
  }
  func.func @transform_2(%arg0: i32) -> (i32, i32) {
    %c0_i32 = arith.constant 0 : i32
    %c0_i32_0 = arith.constant 0 : i32
    %c0_i32_1 = arith.constant 0 : i32
    return %c0_i32, %c0_i32_0 : i32, i32
  }
  func.func @transform_3(%arg0: i32) -> (i32, i32) {
    %c0_i32 = arith.constant 0 : i32
    %c0_i32_0 = arith.constant 0 : i32
    return %arg0, %c0_i32 : i32, i32
  }
}

</mosaic_0001>

<sc_bundles>
// kernel: kernel.6.cloned.1.call-start
scs
__scs_entry_jumppad:
0x0: {  	(pc) =	sbr.rel $0x88, $3  }
0x1: {  	(tag) =	ssettag $0x0;
	lr =	simm.s32 $0x1  }
0x2: {  	[smem:$0x3F9B] =	sst lr;
	_ =	strace $0xD0000000  }
0x3: {  	_ = 	snop  }
0x4: {  	_ = 	snop  }
0x5: {  	_ = 	snop  }
0x6: {  	_ = 	snop  }
0x7: {  	_ = 	snop  }
__scs_overlays_trampoline_lowered:
0x8: {  	[smem:$0x3FAA] =	sst s0  }
0x9: {  	[smem:$0x3FAB] =	sst s1  }
0xa: {  	[smem:$0x3FAC] =	sst s2  }
0xb: {  	[smem:$0x3FAD] =	sst s3  }
0xc: {  	[smem:$0x3FAE] =	sst s4  }
0xd: {  	[smem:$0x3FAF] =	sst s5  }
0xe: {  	[smem:$0x3FB0] =	sst s6  }
0xf: {  	[smem:$0x3FB1] =	sst s7  }
0x10: {  	[smem:$0x3FB2] =	sst s8  }
0x11: {  	[smem:$0x3FB3] =	sst s9;
	s0 =	simm.s32 @!p0 $0x0  }
0x12: {  	s1 =	sld [smem:$0x3F99];
	s0 =	simm.s32 @p0 $0x1  }
0x13: {  	[smem:$0x3FB4] =	sst s0;
	s0 =	simm.s32 @!p1 $0x0  }
0x14: {  	s2 =	sld [smem:$0x3F98];
	s0 =	simm.s32 @p1 $0x1  }
0x15: {  	[smem:$0x3FB5] =	sst s0;
	s0 =	simm.s32 @!p2 $0x0  }
0x16: {  	s3 =	sld [smem:$0x3FDB];
	s0 =	simm.s32 @p2 $0x1  }
0x17: {  	s4 =	simm.s32 $0x1BF5;
	[smem:$0x3FB7] =	sst s0  }
0x18: {  	s0 =	sld [smem:$0x3F9A];
	_ =	swait.ge [sflag:s4], $0x0  }
0x19: {  	s7 =	sld [smem:$0x3F9B]  }
0x1a: {  	s8 =	sadd.s32 $0xFFFFE003, lr  }
0x1b: {  	s9 =	sadd.s32 $0xFFFFFEF7, lr;
	s5 =	simm.s32 $0xFFFFFFFF;
	p2 =	slt.u32 s8, $0xFFFFF086  }
0x1c: {  	p1 =	slt.u32 s9, $0xF7A;
	s5 =	simm.s32 @!p2 $0x0  }
0x1d: {  	s5 =	simm.s32 @p1 $0x1;
	p0 =	seq.s32 s7, s2  }
0x1e: {  	s7 =	smul.u32 @!p0 $0xF7A, s2;
	p2 =	seq.s32 @!p0 s5, $0x0  }
0x1f: {  	s9 =	smul.u32 $0xF7A, s1;
	s8 =	simm.s32 @!p0 $0x1BF5;
	p2 =	por !p2, p0  }
0x20: {  	[sflag:s8] =	ssyncset.s32 @!p0 $0xFFFFF086;
	s6 =	sadd.s32 @!p0 s3, s7;
	s7 =	simm.s32 @!p0 $0x108  }
0x21: {  	s3 =	sadd.s32 s3, s9;
	s6 =	sadd.s32 @!p0 $0x88, s6;
	s7 =	simm.s32 @p2 $0x1082  }
0x22: {  	[simem:s7], [sflag:s8] =	dma.local @!p0 [hbm:s6], $0xF7A  }
0x23: {  	s9 =	sor.u32 $0xD0000000, s2;
	s6 =	simm.s32 $0x108;
	_ =	swait.ge @!p0 [sflag:s8], $0x0  }
0x24: {  	s3 =	sadd.s32 $0x88, s3;
	s6 =	simm.s32 @!p1 $0x1082;
	[sflag:s4] =	ssyncset.s32 $0xFFFFF086  }
0x25: {  	[simem:s6], [sflag:s4] =	dma.local [hbm:s3], $0xF7A  }
0x26: {  	[smem:$0x3F9B] =	sst s1;
	(tag) =	ssettag s2;
	_ =	strace s9  }
0x27: {  	s1 =	sld [smem:$0x3FAB]  }
0x28: {  	s2 =	sld [smem:$0x3FAC]  }
0x29: {  	s4 =	sld [smem:$0x3FAE]  }
0x2a: {  	p0 =	seq.s32 s5, $0x0;
	s5 =	sld [smem:$0x3FAF]  }
0x2b: {  	s6 =	sld [smem:$0x3FB0]  }
0x2c: {  	s7 =	sld [smem:$0x3FB1]  }
0x2d: {  	s3 =	simm.s32 $0x108;
	s8 =	sld [smem:$0x3FB2]  }
0x2e: {  	s3 =	simm.s32 @!p0 $0x1082;
	s9 =	sld [smem:$0x3FB3]  }
0x2f: {  	lr =	sadd.s32 s0, s3;
	s0 =	sld [smem:$0x3FAA]  }
0x30: {  	s3 =	sld [smem:$0x3FAD]  }
0x31: {  	[smem:$0x3FB6] =	sst s10  }
0x32: {  	s10 =	sld [smem:$0x3FB4];
	_ =	sdelay $0x3  }
0x33: {  	p0 =	seq.s32 s10, $0x1;
	s10 =	sld [smem:$0x3FB6];
	_ =	sdelay $0x3  }
0x34: {  	[smem:$0x3FB6] =	sst s10  }
0x35: {  	s10 =	sld [smem:$0x3FB5];
	_ =	sdelay $0x3  }
0x36: {  	p1 =	seq.s32 s10, $0x1;
	s10 =	sld [smem:$0x3FB6];
	_ =	sdelay $0x3  }
0x37: {  	[smem:$0x3FB6] =	sst s10  }
0x38: {  	s10 =	sld [smem:$0x3FB7]  }
0x39: {  	_ = 	snop;
	(pc) =	sbr.ind lr, $3  }
0x3a: {  	_ = 	snop  }
0x3b: {  	_ = 	snop  }
0x3c: {  	p2 =	seq.s32 s10, $0x1;
	s10 =	sld [smem:$0x3FB6]  }
0x3d: {  	_ =	shalt  }
0x3e: {  	_ =	shalt  }
0x3f: {  	_ =	shalt  }
0x40: {  	_ =	shalt  }
0x41: {  	_ =	shalt  }
0x42: {  	_ =	shalt  }
0x43: {  	_ =	shalt  }
0x44: {  	_ =	shalt  }
0x45: {  	_ =	shalt  }
0x46: {  	_ =	shalt  }
0x47: {  	_ =	shalt  }
0x48: {  	_ =	shalt  }
0x49: {  	_ =	shalt  }
0x4a: {  	_ =	shalt  }
0x4b: {  	_ =	shalt  }
0x4c: {  	_ =	shalt  }
0x4d: {  	_ =	shalt  }
0x4e: {  	_ =	shalt  }
0x4f: {  	_ =	shalt  }
0x50: {  	_ =	shalt  }
0x51: {  	_ =	shalt  }
0x52: {  	_ =	shalt  }
0x53: {  	_ =	shalt  }
0x54: {  	_ =	shalt  }
0x55: {  	_ =	shalt  }
0x56: {  	_ =	shalt  }
0x57: {  	_ =	shalt  }
0x58: {  	_ =	shalt  }
0x59: {  	_ =	shalt  }
0x5a: {  	_ =	shalt  }
0x5b: {  	_ =	shalt  }
0x5c: {  	_ =	shalt  }
0x5d: {  	_ =	shalt  }
0x5e: {  	_ =	shalt  }
0x5f: {  	_ =	shalt  }
0x60: {  	_ =	shalt  }
0x61: {  	_ =	shalt  }
0x62: {  	_ =	shalt  }
0x63: {  	_ =	shalt  }
0x64: {  	_ =	shalt  }
0x65: {  	_ =	shalt  }
0x66: {  	_ =	shalt  }
0x67: {  	_ =	shalt  }
0x68: {  	_ =	shalt  }
0x69: {  	_ =	shalt  }
0x6a: {  	_ =	shalt  }
0x6b: {  	_ =	shalt  }
0x6c: {  	_ =	shalt  }
0x6d: {  	_ =	shalt  }
0x6e: {  	_ =	shalt  }
0x6f: {  	_ =	shalt  }
0x70: {  	_ =	shalt  }
0x71: {  	_ =	shalt  }
0x72: {  	_ =	shalt  }
0x73: {  	_ =	shalt  }
0x74: {  	_ =	shalt  }
0x75: {  	_ =	shalt  }
0x76: {  	_ =	shalt  }
0x77: {  	_ =	shalt  }
0x78: {  	_ =	shalt  }
0x79: {  	_ =	shalt  }
0x7a: {  	_ =	shalt  }
0x7b: {  	_ =	shalt  }
0x7c: {  	_ =	shalt  }
0x7d: {  	_ =	shalt  }
0x7e: {  	_ =	shalt  }
0x7f: {  	_ =	shalt  }
0x80: {  	_ =	shalt  }
0x81: {  	_ =	shalt  }
0x82: {  	_ =	shalt  }
0x83: {  	_ =	shalt  }
0x84: {  	_ =	shalt  }
0x85: {  	_ =	shalt  }
0x86: {  	_ =	shalt  }
0x87: {  	_ =	shalt  }
.Lfunc_end0:
.L_simem_size_0:
called_computation_lowered:
.L_overlay_start_0:
0x88: {  	s2 =	sld [smem:$0x3FD9]  }
0x89: {  	s3 =	sld [smem:$0x3FFE];
	_ =	sdelay $0x1  }
0x8a: {  	s1 =	srdreg.scid  }
0x8b: {  	s0 =	sand.u32 $0x1, s1  }
0x8c: {  	s17 =	sshll.u32 s0, $0xA;
	s2 =	sadd.s32 s3, s2  }
0x8d: {  	s2 =	sadd.s32 s2, s17  }
0x8e: {  	[smem:$0x3FC2] =	sst s2  }
0x8f: {  	_ = 	snop  }
0x90: {  	s2 =	sld [smem:$0x3FD0];
	(tm) =	ssettm $0x1  }
0x91: {  	s18 =	sld [smem:$0x3FFB];
	_ =	sdelay $0x3  }
0x92: {  	_ =	strace s18  }
0x93: {  	s3 =	sld [smem:$0x3FFC];
	_ =	sdelay $0x3  }
0x94: {  	_ =	strace s3  }
0x95: {  	s3 =	sld [smem:$0x3FFD];
	_ =	sdelay $0x3  }
0x96: {  	_ =	strace s3  }
0x97: {  	_ =	strace $0x8FFFFFFF  }
0x98: {  	s19 =	sld [smem:$0x3FDB];
	_ =	sdelay $0x1  }
0x99: {  	s4 =	simm.s32 $_scs_section_size  }
0x9a: {  	s5 =	simm.s32 $_size__tile_overlayer_lowered;
	s6 =	simm.s32 $_tile_overlayer_lowered  }
0x9b: {  	s22 =	simm.s32 $0x1BFF;
	s21 =	sshll.u32 s6, $0x1;
	s3 =	sadd.s32 s4, s19  }
0x9c: {  	s7 =	simm.s32 $0x0;
	s20 =	sshll.u32 s5, $0x1;
	s5 =	sadd.s32 s21, s3  }
0x9d: {  	[timem:s7], [sflag:s22] =	dma.local [hbm:s5], s20  }
0x9e: {  	_ =	swait.ge [sflag:s22], s20  }
0x9f: {  	s4 =	ssub.s32 $0x0, s20;
	[sflag:s22] =	ssyncset.done $0x0  }
0xa0: {  	[sflag:s22] =	ssyncadd.s32 s4;
	_ =	sdelay $0x1  }
0xa1: {  	s23 =	simm.s32 $0x1B8B  }
0xa2: {  	_ =	swait.ge [sflag:s23], $0x1  }
0xa3: {  	[sflag:s23] =	ssyncset.done $0x0  }
0xa4: {  	s25 =	simm.s32 $0x1B8E;
	s24 =	sld [smem:$0x3FFE];
	[sflag:s23] =	ssyncadd.s32 $0xFFFFFFFF  }
0xa5: {  	s26 =	simm.s32 $execute0_lowered;
	[smem:$0x3FD2] =	sst s25  }
0xa6: {  	s5 =	sshll.u32 s26, $0x1;
	_ =	strace $0x80000046;
	[dreg:$0x1] =	wrdreg $0xFFFFFFFF  }
0xa7: {  	s28 =	simm.s32 $_size_execute0_lowered;
	s3 =	sadd.s32 s3, s5;
	[dreg:$0x0] =	wrdreg $0x0  }
0xa8: {  	s5 =	sshll.u32 s28, $0x1;
	[dreg:$0x2] =	wrdreg s3  }
0xa9: {  	[dreg:$0x3] =	wrdreg s5  }
0xaa: {  	[dreg:$0x4] =	wrdreg $0xC0  }
0xab: {  	_ =	task [dreg:s7], $0x5FFFF  }
0xac: {  	[dreg:$0x1] =	wrdreg $0xFFFFFFFF  }
0xad: {  	[dreg:$0x0] =	wrdreg $0x60  }
0xae: {  	[dreg:$0x2] =	wrdreg s24  }
0xaf: {  	[dreg:$0x3] =	wrdreg s2  }
0xb0: {  	[dreg:$0x4] =	wrdreg $0x9A800  }
0xb1: {  	[dreg:$0x5] =	wrdreg $0x9  }
0xb2: {  	_ =	task.clear_ibuf [dreg:s7], $0x6FFFF;
	_ =	strace $0x90000046  }
0xb3: {  	s29 =	simm.s32 $0x9;
	_ =	strace $0x80000048  }
0xb4: {  	_ =	swait.ge [sflag:s29], $0x1  }
0xb5: {  	[sflag:s29] =	ssyncadd.s32 $0xFFFFFFFF  }
0xb6: {  	_ =	strace $0x90000048  }
0xb7: {  	_ =	sfence  }
0xb8: {  	s30 =	sld [smem:$0x0];
	_ =	sdelay $0x2  }
0xb9: {  	s31 =	sshll.u32 s1, $0xD;
	s1 =	sshrl.u32 s1, $0x2  }
0xba: {  	s3 =	sand.u32 $0x4000, s31;
	s1 =	sadd.s32 s1, s30  }
0xbb: {  	s0 =	sor.u32 s3, s0;
	s1 =	sshll.u32 s1, $0x11  }
0xbc: {  	s0 =	sor.u32 s1, s0  }
0xbd: {  	s0 =	sadd.s32 $0x8F2B, s0  }
0xbe: {  	[sflag:s0] =	ssyncadd.remote.s32 $0x1  }
0xbf: {  	_ =	sfence.sel $0xFFFF  }
0xc0: {  	[dreg:$0x0] =	wrdreg $0xFFFFFFFF;
	(pc) =	sbr.abs _section_cstart, $3  }
0xc1: {  	[dreg:$0x1] =	wrdreg $0xFFFFFFFF  }
0xc2: {  	_ =	task.clear_ibuf [dreg:s7], $0x2FFFF;
	_ =	strace $0x9FFFFFFF  }
0xc3: {  	(tm) =	ssettm $0x7FFFFFFF  }
tec
execute0_lowered:
.L_overlay_start_1:
0x0: {  	(tag) =	ssettag $0x1  }
0x1: {  	s4 =	rddreg [dreg:$0x0]  }
0x2: {  	s0 =	srdreg.scid;
	s8 =	rddreg [dreg:$0x1]  }
0x3: {  	s2 =	rddreg [dreg:$0x2];
	s3 =	simm.s32 $0x0;
	s7 =	sand.u32 $0x1, s0  }
0x4: {  	s18 =	simm.s32 $0x5980;
	s19 =	simm.s32 $0x7280;
	s5 =	smul.u32 $0x190000, s7  }
0x5: {  	s20 =	simm.s32 $0x4000;
	s0 =	stileid.u32;
	s10 =	smul.u32 $0x140000, s7  }
0x6: {  	s21 =	simm.s32 $0x80;
	s22 =	simm.s32 $0x400;
	s11 =	smul.u32 $0x14000, s0  }
0x7: {  	s23 =	simm.s32 $0x0;
	[smem:$0x7FF] =	sst s3;
	s12 =	smul.u32 $0x50000, s0  }
0x8: {  	s15 =	sadd.s32 $0x2000, s4;
	s1 =	sshll.u32 s7, $0x4;
	s30 =	smul.u32 $0x19000, s0  }
0x9: {  	s26 =	ssub.s32 $0x2, s7;
	s14 =	sshll.u32 s0, $0x7;
	s16 =	smul.u32 $0x19000, s7  }
0xa: {  	s17 =	smul.u32 $0x1900, s0;
	s6 =	sor.u32 s0, s1;
	s1 =	rddreg [dreg:$0x3]  }
0xb: {  	_ =	strace $0x80000047;
	s28 =	sshrl.u32 s26, $0x1;
	s29 =	sand.u32 $0x380, s14  }
0xc: {  	s9 =	smul.u32 $0x1900, s6;
	s13 =	sadd.s32 s5, s4;
	s10 =	sadd.s32 s11, s10  }
0xd: {  	s6 =	sshrl.u32 s6, $0x3;
	s12 =	sshrl.u32 s12, $0x2;
	s11 =	ssub.s32 s26, s28  }
0xe: {  	s16 =	sadd.s32 s17, s16;
	s17 =	simm.s32 $0x4080;
	s10 =	sshrl.u32 s10, $0x3  }
0xf: {  	s6 =	smul.u32 $0x14000, s6;
	s14 =	sadd.s32 s30, s13;
	s16 =	sshrl.u32 s16, $0x3  }
0x10: {  	s25 =	sshrl.u32 s9, $0x3;
	s10 =	sadd.s32 s10, s4;
	s14 =	sadd.s32 $0x2A000, s14  }
0x11: {  	s9 =	sadd.s32 s25, s4;
	s4 =	sadd.s32 s12, s2;
	s5 =	sadd.s32 s15, s25  }
0x12: {  	s12 =	sor.u32 s29, s6;
	s7 =	sadd.s32 $0x34A000, s10;
	s15 =	sadd.s32 s16, s15  }
0x13: {  	s16 =	simm.s32 $0x1;
	s6 =	sadd.s32 $0x8400, s9;
	s31 =	sshrl.u32 s12, $0x3  }
0x14: {  	s9 =	smax.u32 s11, $0x1;
	s10 =	sadd.s32 $0x4000, s4;
	s11 =	sadd.s32 $0x8000, s4  }
0x15: {  	v0 =	vimm.f32 $0.0e+00;
	s12 =	sadd.s32 $0xC000, s4;
	s13 =	sadd.s32 $0x10000, s4;
	s8 =	sadd.s32 s8, s31  }
.LBB2_1:
0x16: {  	s24 =	simm.s32 $0x0;
	s25 =	simm.s32 $0x200  }
.LBB2_2:
0x17: {  	p0 =	sne.s32 s25, $0xFE00;
	[tilespmem:s24+$0x70] =	vst v0  }
0x18: {  	[tilespmem:s24+$0x0] =	vst v0  }
0x19: {  	[tilespmem:s24+$0x10] =	vst v0  }
.Ltmp0:
0x1a: {  	[tilespmem:s24+$0x20] =	vst v0;
	(pc) =	sbr.rel @p0 .LBB2_2-.Ltmp0, $4  }
0x1b: {  	[tilespmem:s24+$0x30] =	vst v0  }
0x1c: {  	[tilespmem:s24+$0x40] =	vst v0  }
0x1d: {  	[tilespmem:s24+$0x50] =	vst v0  }
0x1e: {  	[tilespmem:s24+$0x60] =	vst v0;
	s24 =	sshra.s32 s25, $0x2;
	s25 =	sadd.s32 $0x200, s25  }
0x1f: {  	[tilespmem:s24+$0x70] =	vst v0  }
0x20: {  	[tilespmem:s24+$0x0] =	vst v0  }
0x21: {  	[tilespmem:s24+$0x10] =	vst v0  }
0x22: {  	[tilespmem:s24+$0x20] =	vst v0  }
0x23: {  	[tilespmem:s24+$0x30] =	vst v0  }
0x24: {  	[tilespmem:s24+$0x40] =	vst v0  }
0x25: {  	[tilespmem:s24+$0x50] =	vst v0  }
0x26: {  	[tilespmem:s24+$0x60] =	vst v0;
	s24 =	simm.s32 $0x40;
	s25 =	simm.s32 $0x0  }
.LBB2_4:
0x27: {  	p0 =	sne.s32 s24, $0x9FC0;
	[tilespmem:s25+$0x7280] =	vst v0;
	s25 =	smov.u32 s24;
	s24 =	sadd.s32 $0x40, s24  }
.Ltmp1:
0x28: {  	(pc) =	sbr.rel @p0 .LBB2_4-.Ltmp1, $2  }
0x29: {  	_ =	sdelay $0x2  }
0x2a: {  	s25 =	sshra.s32 s25, $0x2  }
0x2b: {  	[tilespmem:s25+$0x7280] =	vst v0;
	s24 =	simm.s32 $0x0  }
0x2c: {  	[spmem:s4] =	stream.linear.scatter [tilespmem:s24], [sflag:$0x1], $0x4000, $0x38;
	[tilespmem:$0x1DA80] =	vst v63  }
0x2d: {  	_ =	swait.ge [sflag:s16], $0x4000  }
0x2e: {  	[sflag:s16] =	ssyncset.done $0x0  }
0x2f: {  	[sflag:s16] =	ssyncadd.s32 $0xFFFFC000  }
0x30: {  	[spmem:s10] =	stream.linear.scatter [tilespmem:s24], [sflag:$0x1], $0x4000, $0x38;
	[tilespmem:$0x1DA80] =	vst v63  }
0x31: {  	_ =	swait.ge [sflag:s16], $0x4000  }
0x32: {  	[sflag:s16] =	ssyncset.done $0x0  }
0x33: {  	[sflag:s16] =	ssyncadd.s32 $0xFFFFC000  }
0x34: {  	[spmem:s11] =	stream.linear.scatter [tilespmem:s24], [sflag:$0x1], $0x4000, $0x38;
	[tilespmem:$0x1DA80] =	vst v63  }
0x35: {  	_ =	swait.ge [sflag:s16], $0x4000  }
0x36: {  	[sflag:s16] =	ssyncset.done $0x0  }
0x37: {  	[sflag:s16] =	ssyncadd.s32 $0xFFFFC000  }
0x38: {  	[spmem:s12] =	stream.linear.scatter [tilespmem:s24], [sflag:$0x1], $0x4000, $0x38;
	[tilespmem:$0x1DA80] =	vst v63  }
0x39: {  	_ =	swait.ge [sflag:s16], $0x4000  }
0x3a: {  	[sflag:s16] =	ssyncset.done $0x0  }
0x3b: {  	[sflag:s16] =	ssyncadd.s32 $0xFFFFC000  }
0x3c: {  	[spmem:s13] =	stream.linear.scatter [tilespmem:s24], [sflag:$0x1], $0x4000, $0x38;
	[tilespmem:$0x1DA80] =	vst v63  }
0x3d: {  	_ =	swait.ge [sflag:s16], $0x4000  }
0x3e: {  	[sflag:s16] =	ssyncset.done $0x0  }
0x3f: {  	[sflag:s16] =	ssyncadd.s32 $0xFFFFC000  }
0x40: {  	[bflag:$0x0] =	sbarrier.arrive $0xFFFF  }
0x41: {  	[tilespmem:s17], [sflag:$0x1] =	stream.linear.gather [hbm4b:s5+s24], $0x1900, $0x38;
	[tilespmem:$0x1DA80] =	vst v63  }
0x42: {  	_ =	swait.ge [sflag:s16], $0x1900  }
0x43: {  	[sflag:s16] =	ssyncset.done $0x0  }
0x44: {  	[sflag:s16] =	ssyncadd.s32 $0xFFFFE700  }
0x45: {  	[tilespmem:s18], [sflag:$0x1] =	stream.linear.gather [hbm4b:s6+s24], $0x1900, $0x38;
	[tilespmem:$0x1DA80] =	vst v63  }
0x46: {  	_ =	swait.ge [sflag:s16], $0x1900  }
0x47: {  	[sflag:s16] =	ssyncset.done $0x0  }
0x48: {  	s25 =	simm.s32 $0x0;
	s24 =	simm.s32 $0x40;
	[sflag:s16] =	ssyncadd.s32 $0xFFFFE700  }
.LBB2_6:
0x49: {  	p0 =	sne.s32 s24, $0x63C0;
	v1 =	vld [tilespmem:s25+$0x4080];
	_ =	sdelay $0x2  }
0x4a: {  	v2 =	vld [tilespmem:s25+$0x5980]  }
.Ltmp2:
0x4b: {  	(pc) =	sbr.rel @p0 .LBB2_6-.Ltmp2, $2  }
0x4c: {  	_ =	sdelay $0x2  }
0x4d: {  	s25 =	sshra.s32 s24, $0x2;
	s24 =	sadd.s32 $0x40, s24;
	[tilespmem:v1+s19+$0x0] =	vst.idx.add.f32.msk $0xffff, v2  }
0x4e: {  	v1 =	vld [tilespmem:s25+$0x4080];
	_ =	sdelay $0x2  }
0x4f: {  	v2 =	vld [tilespmem:s25+$0x5980];
	_ =	sdelay $0x4  }
0x50: {  	s24 =	sadd.s32 $0x0, s15;
	[tilespmem:v1+s19+$0x0] =	vst.idx.add.f32.msk $0xffff, v2  }
0x51: {  	[tilespmem:s20], [sflag:$0x1] =	stream.linear.gather [hbm4b:s24+s3], $0x80, $0x38;
	[tilespmem:$0x1DA80] =	vst v63  }
0x52: {  	_ =	swait.ge [sflag:s16], $0x80  }
0x53: {  	[sflag:s16] =	ssyncset.done $0x0  }
0x54: {  	[sflag:s16] =	ssyncadd.s32 $0xFFFFFF80  }
0x55: {  	[tilespmem:s3], [sflag:$0x1] =	stream.linear.gather [hbm4b:s14+s3], $0x4000, $0x38;
	[tilespmem:$0x1DA80] =	vst v63  }
0x56: {  	_ =	swait.ge [sflag:s16], $0x4000  }
0x57: {  	[sflag:s16] =	ssyncset.done $0x0  }
0x58: {  	[sflag:s16] =	ssyncadd.s32 $0xFFFFC000  }
0x59: {  	[spmem:s2] =	stream.indirect.scatter.add.f32 [tilespmem:s3], [sflag:$0x1], $0x80, s20, s21, $0xb8;
	[tilespmem:$0x1DA80] =	vst v63  }
0x5a: {  	s25 =	simm.s32 $0x10;
	_ =	swait.ge [sflag:s16], $0x4000  }
0x5b: {  	s26 =	simm.s32 $0x20;
	s24 =	sadd.s32 $0x800, s14;
	[sflag:s16] =	ssyncset.done $0x0  }
.LBB2_8:
0x5c: {  	s28 =	sadd.s32 s25, s15  }
0x5d: {  	[sflag:s16] =	ssyncadd.s32 $0xFFFFC000;
	s25 =	smov.u32 s26;
	s29 =	sadd.s32 $0x10, s26  }
0x5e: {  	[tilespmem:s20], [sflag:$0x1] =	stream.linear.gather [hbm4b:s28+s3], $0x80, $0x38;
	[tilespmem:$0x1DA80] =	vst v63  }
0x5f: {  	p0 =	sne.s32 s26, $0x310;
	_ =	swait.ge [sflag:s16], $0x80  }
0x60: {  	[sflag:s16] =	ssyncset.done $0x0  }
0x61: {  	[sflag:s16] =	ssyncadd.s32 $0xFFFFFF80  }
0x62: {  	[tilespmem:s3], [sflag:$0x1] =	stream.linear.gather [hbm4b:s24+s3], $0x4000, $0x38;
	[tilespmem:$0x1DA80] =	vst v63  }
0x63: {  	_ =	swait.ge [sflag:s16], $0x4000  }
.Ltmp3:
0x64: {  	[sflag:s16] =	ssyncset.done $0x0;
	(pc) =	sbr.rel @p0 .LBB2_8-.Ltmp3, $4  }
0x65: {  	[sflag:s16] =	ssyncadd.s32 $0xFFFFC000  }
0x66: {  	[spmem:s2] =	stream.indirect.scatter.add.f32 [tilespmem:s3], [sflag:$0x1], $0x80, s20, s21, $0xb8;
	[tilespmem:$0x1DA80] =	vst v63  }
0x67: {  	_ =	swait.ge [sflag:s16], $0x4000  }
0x68: {  	s26 =	smov.u32 s29;
	s24 =	sadd.s32 $0x800, s24;
	[sflag:s16] =	ssyncset.done $0x0  }
0x69: {  	s25 =	sadd.s32 s25, s15;
	[sflag:s16] =	ssyncadd.s32 $0xFFFFC000  }
0x6a: {  	[tilespmem:s20], [sflag:$0x1] =	stream.linear.gather [hbm4b:s25+s3], $0x80, $0x38;
	[tilespmem:$0x1DA80] =	vst v63  }
0x6b: {  	_ =	swait.ge [sflag:s16], $0x80  }
0x6c: {  	[sflag:s16] =	ssyncset.done $0x0  }
0x6d: {  	[sflag:s16] =	ssyncadd.s32 $0xFFFFFF80  }
0x6e: {  	[tilespmem:s3], [sflag:$0x1] =	stream.linear.gather [hbm4b:s24+s3], $0x4000, $0x38;
	[tilespmem:$0x1DA80] =	vst v63  }
0x6f: {  	_ =	swait.ge [sflag:s16], $0x4000  }
0x70: {  	[sflag:s16] =	ssyncset.done $0x0  }
0x71: {  	[sflag:s16] =	ssyncadd.s32 $0xFFFFC000  }
0x72: {  	[spmem:s2] =	stream.indirect.scatter.add.f32 [tilespmem:s3], [sflag:$0x1], $0x80, s20, s21, $0xb8;
	[tilespmem:$0x1DA80] =	vst v63  }
0x73: {  	_ =	swait.ge [sflag:s16], $0x4000  }
0x74: {  	[sflag:s16] =	ssyncset.done $0x0  }
0x75: {  	s30 =	sshll.u32 s0, $0x6;
	[sflag:s16] =	ssyncadd.s32 $0xFFFFC000  }
0x76: {  	s31 =	sshrl.u32 s4, $0x3;
	s24 =	sor.u32 $0x1C01, s30;
	[bflag:$0x0] =	sbarrier.arrive $0xFFFF  }
0x77: {  	[hbm:s7], [sflag:s24] =	dma.local [spmem:s31], $0x2800  }
0x78: {  	s23 =	sadd.s32 $0x1, s23;
	_ =	swait.ge [sflag:s16], $0x2800  }
0x79: {  	p0 =	sne.s32 s23, s9;
	[sflag:s16] =	ssyncset.done $0x0  }
.Ltmp4:
0x7a: {  	[sflag:s16] =	ssyncadd.s32 $0xFFFFD800;
	(pc) =	sbr.rel @p0 .LBB2_1-.Ltmp4, $4  }
0x7b: {  	[hbm4b:s8+s21] =	stream.strided.scatter [tilespmem:s19], [sflag:$0x1], $0x2800, s22, s21, $0x38;
	[tilespmem:$0x1DA80] =	vst v63  }
0x7c: {  	_ =	swait.ge [sflag:s16], $0x2800  }
0x7d: {  	[sflag:s16] =	ssyncset.done $0x0  }
0x7e: {  	[sflag:s16] =	ssyncadd.s32 $0xFFFFD800  }
0x7f: {  	_ =	sfence.sel $0x180000  }
0x80: {  	[bflag:$0x0] =	sbarrier.arrive $0xFFFF  }
0x81: {  	p0 =	sne.s32 s0, $0x0;
	_ =	strace $0x90000047  }
0x82: {  	s0 =	sadd.s32 @!p0 $0x100000, s1;
	[bflag:$0x2] =	sbarrier.arrive $0xFFFF  }
0x83: {  	[sflag:s0] =	ssyncadd.tile.s32 @!p0 $0x1;
	_ =	shalt  }
.Lfunc_end2:
_tile_overlayer_lowered:
.L_overlay_start_2:
0x84: {  	(tag) =	ssettag $0x2  }
0x85: {  	s0 =	rddreg [dreg:$0x0];
	s2 =	stileid.u32  }
0x86: {  	s1 =	rddreg [dreg:$0x1];
	p0 =	sne.s32 s2, $0x0  }
0x87: {  	s3 =	rddreg [dreg:$0x2];
	[bflag:$0x3] =	sbarrier.arrive $0xFFFF;
	s2 =	simm.s32 @!p0 $0x1C01  }
0x88: {  	[timem:s3], [sflag:s2] =	dma.local @!p0 [hbm:s0], s1  }
0x89: {  	s0 =	simm.s32 @!p0 $0x1  }
0x8a: {  	_ =	swait.ge @!p0 [sflag:s0], s1  }
0x8b: {  	s1 =	ssub.s32 @!p0 $0x0, s1;
	[sflag:s0] =	ssyncset.done @!p0 $0x0  }
0x8c: {  	[sflag:s0] =	ssyncadd.s32 @!p0 s1  }
0x8d: {  	[bflag:$0x3] =	sbarrier.arrive $0xFFFF  }
0x8e: {  	_ =	shalt  }

</sc_bundles>
